<compile_context>
chip_gen: v7x
topology: tpu7x:2x2x1
jax: 0.10.2.dev20260603
libtpu: 0.0.44.dev20260713+nightly
codegen_flags: <defaults>
</compile_context>

<pallas_src>
import functools

import jax
import jax.numpy as jnp
from jax import lax
from jax.experimental import pallas as pl
from jax.experimental.pallas import tpu as pltpu
from jax.experimental.pallas import tpu_sc as plsc

H, W = 4096, 4096
N = 4194304

_NW = 32
_C = 2048
_Q = N // _NW
_NCHUNK = _Q // _C
_GSLICE = 128
_NG = _C // _GSLICE
_MAGIC = 12582912.0


def _make_fused():
    mesh = plsc.VectorSubcoreMesh(core_axis_name="c", subcore_axis_name="s")

    @functools.partial(
        pl.kernel,
        mesh=mesh,
        compiler_params=pltpu.CompilerParams(needs_layout_passes=False),
        out_type=jax.ShapeDtypeStruct((N,), jnp.float32),
        scratch_types=[
            pltpu.VMEM((2 * _C,), jnp.float32),
            pltpu.VMEM((2 * _C,), jnp.float32),
            pltpu.VMEM((_C,), jnp.int32),
            pltpu.VMEM((_C,), jnp.int32),
            pltpu.VMEM((_C,), jnp.float32),
            pltpu.VMEM((_C,), jnp.float32),
            pltpu.SemaphoreType.DMA,
            pltpu.SemaphoreType.DMA,
            pltpu.SemaphoreType.DMA,
            pltpu.SemaphoreType.DMA,
            pltpu.SemaphoreType.DMA,
            pltpu.SemaphoreType.DMA,
        ],
    )
    def fused(coords_hbm, field_hbm, out_hbm,
              cb0, cb1, ib0, ib1, vb0, vb1, cs0, cs1, gs0, gs1, ws0, ws1):
        cb = (cb0, cb1)
        ib = (ib0, ib1)
        vb = (vb0, vb1)
        cs = (cs0, cs1)
        gs = (gs0, gs1)
        ws = (ws0, ws1)

        wid = lax.axis_index("s") * 2 + lax.axis_index("c")
        qbase = wid * _Q

        def start_coords(c, b):
            src = coords_hbm.at[pl.ds((qbase + c * _C) * 2, 2 * _C)]
            pltpu.async_copy(src, cb[b], cs[b])

        def wait_coords(b):
            pltpu.make_async_copy(
                coords_hbm.at[pl.ds(0, 2 * _C)], cb[b], cs[b]).wait()

        def drain_gathers(b):
            pltpu.make_async_copy(
                field_hbm.at[pl.ds(0, _C)], vb[b], gs[b]).wait()

        def compute_idx(b):
            cbuf = cb[b]
            ibuf = ib[b]

            @plsc.parallel_loop(0, _C // 16, unroll=4)
            def comp(i):
                base = (i >> 3) * 256 + (i & 7) * 16
                vy = cbuf[pl.ds(base, 16)]
                vx = cbuf[pl.ds(base + 128, 16)]
                ry = ((vy * 2.0 - 1.0) + 1.0) * 0.5 * (H - 1.0)
                rx = ((vx * 2.0 - 1.0) + 1.0) * 0.5 * (W - 1.0)
                ry = (ry + _MAGIC) - _MAGIC
                rx = (rx + _MAGIC) - _MAGIC
                yi = ry.astype(jnp.int32)
                xi = rx.astype(jnp.int32)
                addr = (
                    ((yi >> 3) << 15) | ((xi >> 7) << 10)
                    | ((yi & 7) << 7) | (xi & 127)
                )
                ibuf[pl.ds(i * 16, 16)] = addr

        def fire_gathers(b):
            for j in range(_NG):
                pltpu.async_copy(
                    field_hbm.at[ib[b].at[pl.ds(j * _GSLICE, _GSLICE)]],
                    vb[b].at[pl.ds(j * _GSLICE, _GSLICE)],
                    gs[b])

        def writeback(c, b):
            pltpu.async_copy(vb[b], out_hbm.at[pl.ds(qbase + c * _C, _C)],
                             ws[b])

        def wait_writeback(b):
            pltpu.make_async_copy(
                vb[b], out_hbm.at[pl.ds(qbase, _C)], ws[b]).wait()

        start_coords(0, 0)

        def super_body(s, carry):
            for b in range(2):
                c = s * 2 + b
                nb = 1 - b

                @pl.when(c + 1 < _NCHUNK)
                def _():
                    start_coords(c + 1, nb)

                wait_coords(b)
                compute_idx(b)

                @pl.when(c > 1)
                def _():
                    wait_writeback(b)

                fire_gathers(b)

                @pl.when(c > 0)
                def _():
                    drain_gathers(nb)
                    writeback(c - 1, nb)
            return carry

        lax.fori_loop(0, _NCHUNK // 2, super_body, 0)
        drain_gathers(1)
        writeback(_NCHUNK - 1, 1)
        wait_writeback(0)
        wait_writeback(1)

    return fused


_fused = _make_fused()


@jax.jit
def kernel(coords, field):
    coords_flat = (
        coords.reshape(N // 128, 128, 2).transpose(0, 2, 1).reshape(2 * N))
    field_flat = (
        field.reshape(H // 8, 8, W // 128, 128)
        .transpose(0, 2, 1, 3).reshape(H * W))
    vals = _fused(coords_flat, field_flat)
    return vals.reshape(N, 1)

# --- scband reference (transcript-rebuilt; emitter-appended) ---
"""Pipeline reference for scband-differentiable-field2-d-70111046140623 (READ-ONLY COPY).

The authoritative reference and input builder live on the scoring server;
editing this copy changes nothing except your own understanding.
"""

import jax, jax.numpy as jnp
import numpy as np

H, W = 4096, 4096
WIDTH = 1.0
HEIGHT = 1.0
N = 4194304


def setup_inputs(seed: int = 0) -> dict:
    key = jax.random.key(seed)
    k1, k2 = jax.random.split(key)
    coords = jax.random.uniform(k1, (N, 2), dtype=jnp.float32)  # physical units in [0, 1)
    field = jax.random.normal(k2, (H, W), dtype=jnp.float32)    # arr_2d buffer
    return {"coords": coords, "field": field}


def reference(coords, field):
    # coords: (N, 2) physical (y, x); field: (H, W)
    # normalize to [-1, 1] as in the torch module (coords.shape[-1] == 2 branch)
    x = coords[:, 1] / WIDTH * 2.0 - 1.0
    y = coords[:, 0] / HEIGHT * 2.0 - 1.0
    # grid_sample(mode='nearest', align_corners=True):
    # pixel index = (norm + 1) / 2 * (size - 1), rounded to nearest
    ix = (x + 1.0) * 0.5 * (W - 1)
    iy = (y + 1.0) * 0.5 * (H - 1)
    ix_i = jnp.clip(jnp.round(ix), 0, W - 1).astype(jnp.int32)
    iy_i = jnp.clip(jnp.round(iy), 0, H - 1).astype(jnp.int32)
    values = field[iy_i, ix_i]  # gather (N,)
    return values.reshape(-1, 1)

if __name__ == "__main__":
    import jax
    _d = setup_inputs()
    print(jax.jit(kernel)(*tuple(_d.values())))

</pallas_src>

<mosaic_0001>
#map = affine_map<(d0, d1) -> (0)>
module attributes {stable_mosaic.version = 14 : i64} {
  func.func @fused(%arg0: i32, %arg1: i32, %arg2: memref<8388608xf32, #tpu.memory_space<hbm>>, %arg3: memref<16777216xf32, #tpu.memory_space<hbm>>, %arg4: memref<4194304xf32, #tpu.memory_space<hbm>>, %arg5: memref<4096xf32, #tpu.memory_space<vmem>>, %arg6: memref<4096xf32, #tpu.memory_space<vmem>>, %arg7: memref<2048xi32, #tpu.memory_space<vmem>>, %arg8: memref<2048xi32, #tpu.memory_space<vmem>>, %arg9: memref<2048xf32, #tpu.memory_space<vmem>>, %arg10: memref<2048xf32, #tpu.memory_space<vmem>>, %arg11: memref<!tpu.dma_semaphore, #tpu.memory_space<semaphore_mem>>, %arg12: memref<!tpu.dma_semaphore, #tpu.memory_space<semaphore_mem>>, %arg13: memref<!tpu.dma_semaphore, #tpu.memory_space<semaphore_mem>>, %arg14: memref<!tpu.dma_semaphore, #tpu.memory_space<semaphore_mem>>, %arg15: memref<!tpu.dma_semaphore, #tpu.memory_space<semaphore_mem>>, %arg16: memref<!tpu.dma_semaphore, #tpu.memory_space<semaphore_mem>>) attributes {dimension_semantics = [#tpu.dimension_semantics<core_parallel>, #tpu.dimension_semantics<subcore_parallel>], iteration_bounds = array<i64: 2, 16>, scalar_prefetch = 0 : i64, scratch_operands = 12 : i64, tpu.core_type = #tpu.core_type<sc_vector_subcore>, window_params = [{transform_indices = #map}, {transform_indices = #map}, {transform_indices = #map}]} {
    %mul3A = arith.constant 2 : i32
    %mul3A_0 = arith.muli %arg1, %mul3A : i32
    %add3A = arith.addi %mul3A_0, %arg0 : i32
    %mul3A_1 = arith.constant 131072 : i32
    %mul3A_2 = arith.muli %add3A, %mul3A_1 : i32
    %add3A_3 = arith.constant 0 : i32
    %add3A_4 = arith.addi %mul3A_2, %add3A_3 : i32
    %mul3A_5 = arith.constant 2 : i32
    %mul3A_6 = arith.muli %add3A_4, %mul3A_5 : i32
    %dma_start3A = tpu.memref_slice %arg2[%mul3A_6] : memref<8388608xf32, #tpu.memory_space<hbm>> -> memref<4096xf32, #tpu.memory_space<hbm>>
    %dma_start3A_7 = tpu.memref_slice %arg2[%mul3A_6] : memref<8388608xf32, #tpu.memory_space<hbm>> -> memref<4096xf32, #tpu.memory_space<hbm>>
    tpu.enqueue_dma source(%dma_start3A_7 : memref<4096xf32, #tpu.memory_space<hbm>>) target(%arg5 : memref<4096xf32, #tpu.memory_space<vmem>>) target_semaphore(%arg11 : memref<!tpu.dma_semaphore, #tpu.memory_space<semaphore_mem>>)
    %scan3A = arith.constant 0 : i32
    %scan3A_8 = arith.constant 0 : i32
    %scan3A_9 = arith.constant 32 : i32
    %scan3A_10 = arith.addi %scan3A_8, %scan3A_9 : i32
    %scan3A_11 = arith.constant 1 : i32
    scf.for %scan3A_24 = %scan3A_8 to %scan3A_10 step %scan3A_11  : i32 {
      %mul3A_25 = arith.constant 2 : i32
      %mul3A_26 = arith.muli %scan3A_24, %mul3A_25 : i32
      %add3A_27 = arith.constant 0 : i32
      %add3A_28 = arith.addi %mul3A_26, %add3A_27 : i32
      %add3A_29 = arith.constant 1 : i32
      %add3A_30 = arith.addi %add3A_28, %add3A_29 : i32
      %lt3A = arith.constant 64 : i32
      %lt3A_31 = arith.cmpi slt, %add3A_30, %lt3A : i32
      %convert_element_type3A = arith.extui %lt3A_31 : i1 to i32
      %cond3A = arith.constant 0 : i32
      %cond3A_32 = arith.cmpi ne, %convert_element_type3A, %cond3A : i32
      scf.if %cond3A_32 {
        %add3A_268 = arith.constant 1 : i32
        %add3A_269 = arith.addi %add3A_28, %add3A_268 : i32
        %mul3A_270 = arith.constant 2048 : i32
        %mul3A_271 = arith.muli %add3A_269, %mul3A_270 : i32
        %add3A_272 = arith.addi %mul3A_2, %mul3A_271 : i32
        %mul3A_273 = arith.constant 2 : i32
        %mul3A_274 = arith.muli %add3A_272, %mul3A_273 : i32
        %dma_start3A_275 = tpu.memref_slice %arg2[%mul3A_274] : memref<8388608xf32, #tpu.memory_space<hbm>> -> memref<4096xf32, #tpu.memory_space<hbm>>
        %dma_start3A_276 = tpu.memref_slice %arg2[%mul3A_274] : memref<8388608xf32, #tpu.memory_space<hbm>> -> memref<4096xf32, #tpu.memory_space<hbm>>
        tpu.enqueue_dma source(%dma_start3A_276 : memref<4096xf32, #tpu.memory_space<hbm>>) target(%arg6 : memref<4096xf32, #tpu.memory_space<vmem>>) target_semaphore(%arg12 : memref<!tpu.dma_semaphore, #tpu.memory_space<semaphore_mem>>)
      } else {
      }
      %dma_wait3A_33 = arith.constant 0 : i32
      %dma_wait3A_34 = tpu.memref_slice %arg2[%dma_wait3A_33] : memref<8388608xf32, #tpu.memory_space<hbm>> -> memref<4096xf32, #tpu.memory_space<hbm>>
      %dma_wait3A_35 = arith.constant 0 : i32
      %dma_wait3A_36 = tpu.memref_slice %arg2[%dma_wait3A_35] : memref<8388608xf32, #tpu.memory_space<hbm>> -> memref<4096xf32, #tpu.memory_space<hbm>>
      tpu.wait_dma2 semaphore(%arg11 : memref<!tpu.dma_semaphore, #tpu.memory_space<semaphore_mem>>) src(%dma_wait3A_36 : memref<4096xf32, #tpu.memory_space<hbm>>) dst(%arg5 : memref<4096xf32, #tpu.memory_space<vmem>>)
      %parallel_loop3A = arith.constant 0 : i32
      %parallel_loop3A_37 = arith.constant 128 : i32
      %parallel_loop3A_38 = arith.constant 1 : i32
      scf.for %parallel_loop3A_268 = %parallel_loop3A to %parallel_loop3A_37 step %parallel_loop3A_38  : i32 {
        %parallel_loop3A_269 = arith.constant 3 : i32
        %parallel_loop3A_270 = arith.shrsi %parallel_loop3A_268, %parallel_loop3A_269 : i32
        %parallel_loop3A_271 = arith.constant 256 : i32
        %parallel_loop3A_272 = arith.muli %parallel_loop3A_270, %parallel_loop3A_271 : i32
        %parallel_loop3A_273 = arith.constant 7 : i32
        %parallel_loop3A_274 = arith.andi %parallel_loop3A_268, %parallel_loop3A_273 : i32
        %parallel_loop3A_275 = arith.constant 16 : i32
        %parallel_loop3A_276 = arith.muli %parallel_loop3A_274, %parallel_loop3A_275 : i32
        %parallel_loop3A_277 = arith.addi %parallel_loop3A_272, %parallel_loop3A_276 : i32
        %parallel_loop3A_278 = arith.index_cast %parallel_loop3A_277 : i32 to index
        %parallel_loop3A_279 = tpu.vector_load %arg5[%parallel_loop3A_278] {strides = array<i32>} : memref<4096xf32, #tpu.memory_space<vmem>>, vector<16xf32>,
        %parallel_loop3A_280 = arith.constant 128 : i32
        %parallel_loop3A_281 = arith.addi %parallel_loop3A_277, %parallel_loop3A_280 : i32
        %parallel_loop3A_282 = arith.index_cast %parallel_loop3A_281 : i32 to index
        %parallel_loop3A_283 = tpu.vector_load %arg5[%parallel_loop3A_282] {strides = array<i32>} : memref<4096xf32, #tpu.memory_space<vmem>>, vector<16xf32>,
        %parallel_loop3A_284 = arith.constant 2.000000e+00 : f32
        %parallel_loop3A_285 = vector.broadcast %parallel_loop3A_284 : f32 to vector<16xf32>
        %parallel_loop3A_286 = arith.mulf %parallel_loop3A_279, %parallel_loop3A_285 : vector<16xf32>
        %parallel_loop3A_287 = arith.constant 1.000000e+00 : f32
        %parallel_loop3A_288 = vector.broadcast %parallel_loop3A_287 : f32 to vector<16xf32>
        %parallel_loop3A_289 = arith.subf %parallel_loop3A_286, %parallel_loop3A_288 : vector<16xf32>
        %parallel_loop3A_290 = arith.constant 1.000000e+00 : f32
        %parallel_loop3A_291 = vector.broadcast %parallel_loop3A_290 : f32 to vector<16xf32>
        %parallel_loop3A_292 = arith.addf %parallel_loop3A_289, %parallel_loop3A_291 : vector<16xf32>
        %parallel_loop3A_293 = arith.constant 5.000000e-01 : f32
        %parallel_loop3A_294 = vector.broadcast %parallel_loop3A_293 : f32 to vector<16xf32>
        %parallel_loop3A_295 = arith.mulf %parallel_loop3A_292, %parallel_loop3A_294 : vector<16xf32>
        %parallel_loop3A_296 = arith.constant 4.095000e+03 : f32
        %parallel_loop3A_297 = vector.broadcast %parallel_loop3A_296 : f32 to vector<16xf32>
        %parallel_loop3A_298 = arith.mulf %parallel_loop3A_295, %parallel_loop3A_297 : vector<16xf32>
        %parallel_loop3A_299 = arith.constant 2.000000e+00 : f32
        %parallel_loop3A_300 = vector.broadcast %parallel_loop3A_299 : f32 to vector<16xf32>
        %parallel_loop3A_301 = arith.mulf %parallel_loop3A_283, %parallel_loop3A_300 : vector<16xf32>
        %parallel_loop3A_302 = arith.constant 1.000000e+00 : f32
        %parallel_loop3A_303 = vector.broadcast %parallel_loop3A_302 : f32 to vector<16xf32>
        %parallel_loop3A_304 = arith.subf %parallel_loop3A_301, %parallel_loop3A_303 : vector<16xf32>
        %parallel_loop3A_305 = arith.constant 1.000000e+00 : f32
        %parallel_loop3A_306 = vector.broadcast %parallel_loop3A_305 : f32 to vector<16xf32>
        %parallel_loop3A_307 = arith.addf %parallel_loop3A_304, %parallel_loop3A_306 : vector<16xf32>
        %parallel_loop3A_308 = arith.constant 5.000000e-01 : f32
        %parallel_loop3A_309 = vector.broadcast %parallel_loop3A_308 : f32 to vector<16xf32>
        %parallel_loop3A_310 = arith.mulf %parallel_loop3A_307, %parallel_loop3A_309 : vector<16xf32>
        %parallel_loop3A_311 = arith.constant 4.095000e+03 : f32
        %parallel_loop3A_312 = vector.broadcast %parallel_loop3A_311 : f32 to vector<16xf32>
        %parallel_loop3A_313 = arith.mulf %parallel_loop3A_310, %parallel_loop3A_312 : vector<16xf32>
        %parallel_loop3A_314 = arith.constant 0x4B400000 : f32
        %parallel_loop3A_315 = vector.broadcast %parallel_loop3A_314 : f32 to vector<16xf32>
        %parallel_loop3A_316 = arith.addf %parallel_loop3A_298, %parallel_loop3A_315 : vector<16xf32>
        %parallel_loop3A_317 = arith.constant 0x4B400000 : f32
        %parallel_loop3A_318 = vector.broadcast %parallel_loop3A_317 : f32 to vector<16xf32>
        %parallel_loop3A_319 = arith.subf %parallel_loop3A_316, %parallel_loop3A_318 : vector<16xf32>
        %parallel_loop3A_320 = arith.constant 0x4B400000 : f32
        %parallel_loop3A_321 = vector.broadcast %parallel_loop3A_320 : f32 to vector<16xf32>
        %parallel_loop3A_322 = arith.addf %parallel_loop3A_313, %parallel_loop3A_321 : vector<16xf32>
        %parallel_loop3A_323 = arith.constant 0x4B400000 : f32
        %parallel_loop3A_324 = vector.broadcast %parallel_loop3A_323 : f32 to vector<16xf32>
        %parallel_loop3A_325 = arith.subf %parallel_loop3A_322, %parallel_loop3A_324 : vector<16xf32>
        %parallel_loop3A_326 = arith.fptosi %parallel_loop3A_319 : vector<16xf32> to vector<16xi32>
        %parallel_loop3A_327 = arith.fptosi %parallel_loop3A_325 : vector<16xf32> to vector<16xi32>
        %parallel_loop3A_328 = arith.constant 3 : i32
        %parallel_loop3A_329 = vector.broadcast %parallel_loop3A_328 : i32 to vector<16xi32>
        %parallel_loop3A_330 = arith.shrsi %parallel_loop3A_326, %parallel_loop3A_329 : vector<16xi32>
        %parallel_loop3A_331 = arith.constant 15 : i32
        %parallel_loop3A_332 = vector.broadcast %parallel_loop3A_331 : i32 to vector<16xi32>
        %parallel_loop3A_333 = arith.shli %parallel_loop3A_330, %parallel_loop3A_332 : vector<16xi32>
        %parallel_loop3A_334 = arith.constant 7 : i32
        %parallel_loop3A_335 = vector.broadcast %parallel_loop3A_334 : i32 to vector<16xi32>
        %parallel_loop3A_336 = arith.shrsi %parallel_loop3A_327, %parallel_loop3A_335 : vector<16xi32>
        %parallel_loop3A_337 = arith.constant 10 : i32
        %parallel_loop3A_338 = vector.broadcast %parallel_loop3A_337 : i32 to vector<16xi32>
        %parallel_loop3A_339 = arith.shli %parallel_loop3A_336, %parallel_loop3A_338 : vector<16xi32>
        %parallel_loop3A_340 = arith.ori %parallel_loop3A_333, %parallel_loop3A_339 : vector<16xi32>
        %parallel_loop3A_341 = arith.constant 7 : i32
        %parallel_loop3A_342 = vector.broadcast %parallel_loop3A_341 : i32 to vector<16xi32>
        %parallel_loop3A_343 = arith.andi %parallel_loop3A_326, %parallel_loop3A_342 : vector<16xi32>
        %parallel_loop3A_344 = arith.constant 7 : i32
        %parallel_loop3A_345 = vector.broadcast %parallel_loop3A_344 : i32 to vector<16xi32>
        %parallel_loop3A_346 = arith.shli %parallel_loop3A_343, %parallel_loop3A_345 : vector<16xi32>
        %parallel_loop3A_347 = arith.ori %parallel_loop3A_340, %parallel_loop3A_346 : vector<16xi32>
        %parallel_loop3A_348 = arith.constant 127 : i32
        %parallel_loop3A_349 = vector.broadcast %parallel_loop3A_348 : i32 to vector<16xi32>
        %parallel_loop3A_350 = arith.andi %parallel_loop3A_327, %parallel_loop3A_349 : vector<16xi32>
        %parallel_loop3A_351 = arith.ori %parallel_loop3A_347, %parallel_loop3A_350 : vector<16xi32>
        %parallel_loop3A_352 = arith.constant 16 : i32
        %parallel_loop3A_353 = arith.muli %parallel_loop3A_268, %parallel_loop3A_352 : i32
        %parallel_loop3A_354 = arith.index_cast %parallel_loop3A_353 : i32 to index
        %parallel_loop3A_355 = tpu.vector_load %arg7[%parallel_loop3A_354] {strides = array<i32>} : memref<2048xi32, #tpu.memory_space<vmem>>, vector<16xi32>,
        tpu.vector_store %arg7[%parallel_loop3A_354], %parallel_loop3A_351 {strides = array<i32>} : memref<2048xi32, #tpu.memory_space<vmem>>, vector<16xi32>,
      } {sc.loop_unroll_factor = 4 : i64, sc.parallel_access}
      %gt3A = arith.constant 1 : i32
      %gt3A_39 = arith.cmpi sgt, %add3A_28, %gt3A : i32
      %convert_element_type3A_40 = arith.extui %gt3A_39 : i1 to i32
      %cond3A_41 = arith.constant 0 : i32
      %cond3A_42 = arith.cmpi ne, %convert_element_type3A_40, %cond3A_41 : i32
      scf.if %cond3A_42 {
        %dma_wait3A_268 = tpu.memref_slice %arg4[%mul3A_2] : memref<4194304xf32, #tpu.memory_space<hbm>> -> memref<2048xf32, #tpu.memory_space<hbm>>
        %dma_wait3A_269 = tpu.memref_slice %arg4[%mul3A_2] : memref<4194304xf32, #tpu.memory_space<hbm>> -> memref<2048xf32, #tpu.memory_space<hbm>>
        tpu.wait_dma2 semaphore(%arg15 : memref<!tpu.dma_semaphore, #tpu.memory_space<semaphore_mem>>) src(%arg9 : memref<2048xf32, #tpu.memory_space<vmem>>) dst(%dma_wait3A_269 : memref<2048xf32, #tpu.memory_space<hbm>>)
      } else {
      }
      %dma_start3A_43 = arith.constant 0 : i32
      %dma_start3A_44 = tpu.memref_slice %arg9[%dma_start3A_43] : memref<2048xf32, #tpu.memory_space<vmem>> -> memref<128xf32, #tpu.memory_space<vmem>>
      %dma_start3A_45 = arith.constant 0 : i32
      %dma_start3A_46 = tpu.memref_slice %arg7[%dma_start3A_45] : memref<2048xi32, #tpu.memory_space<vmem>> -> memref<128xi32, #tpu.memory_space<vmem>>
      %dma_start3A_47 = arith.constant 0 : i32
      %dma_start3A_48 = tpu.memref_slice %arg3[%dma_start3A_47] : memref<16777216xf32, #tpu.memory_space<hbm>> -> memref<16777216xf32, #tpu.memory_space<hbm>>
      tpu.enqueue_indirect_dma source(%dma_start3A_48 : memref<16777216xf32, #tpu.memory_space<hbm>>) target(%dma_start3A_44 : memref<128xf32, #tpu.memory_space<vmem>>) offsets(%dma_start3A_46 : memref<128xi32, #tpu.memory_space<vmem>>) semaphore(%arg13 : memref<!tpu.dma_semaphore, #tpu.memory_space<semaphore_mem>>)
      %dma_start3A_49 = arith.constant 128 : i32
      %dma_start3A_50 = tpu.memref_slice %arg9[%dma_start3A_49] : memref<2048xf32, #tpu.memory_space<vmem>> -> memref<128xf32, #tpu.memory_space<vmem>>
      %dma_start3A_51 = arith.constant 128 : i32
      %dma_start3A_52 = tpu.memref_slice %arg7[%dma_start3A_51] : memref<2048xi32, #tpu.memory_space<vmem>> -> memref<128xi32, #tpu.memory_space<vmem>>
      %dma_start3A_53 = arith.constant 0 : i32
      %dma_start3A_54 = tpu.memref_slice %arg3[%dma_start3A_53] : memref<16777216xf32, #tpu.memory_space<hbm>> -> memref<16777216xf32, #tpu.memory_space<hbm>>
      tpu.enqueue_indirect_dma source(%dma_start3A_54 : memref<16777216xf32, #tpu.memory_space<hbm>>) target(%dma_start3A_50 : memref<128xf32, #tpu.memory_space<vmem>>) offsets(%dma_start3A_52 : memref<128xi32, #tpu.memory_space<vmem>>) semaphore(%arg13 : memref<!tpu.dma_semaphore, #tpu.memory_space<semaphore_mem>>)
      %dma_start3A_55 = arith.constant 256 : i32
      %dma_start3A_56 = tpu.memref_slice %arg9[%dma_start3A_55] : memref<2048xf32, #tpu.memory_space<vmem>> -> memref<128xf32, #tpu.memory_space<vmem>>
      %dma_start3A_57 = arith.constant 256 : i32
      %dma_start3A_58 = tpu.memref_slice %arg7[%dma_start3A_57] : memref<2048xi32, #tpu.memory_space<vmem>> -> memref<128xi32, #tpu.memory_space<vmem>>
      %dma_start3A_59 = arith.constant 0 : i32
      %dma_start3A_60 = tpu.memref_slice %arg3[%dma_start3A_59] : memref<16777216xf32, #tpu.memory_space<hbm>> -> memref<16777216xf32, #tpu.memory_space<hbm>>
      tpu.enqueue_indirect_dma source(%dma_start3A_60 : memref<16777216xf32, #tpu.memory_space<hbm>>) target(%dma_start3A_56 : memref<128xf32, #tpu.memory_space<vmem>>) offsets(%dma_start3A_58 : memref<128xi32, #tpu.memory_space<vmem>>) semaphore(%arg13 : memref<!tpu.dma_semaphore, #tpu.memory_space<semaphore_mem>>)
      %dma_start3A_61 = arith.constant 384 : i32
      %dma_start3A_62 = tpu.memref_slice %arg9[%dma_start3A_61] : memref<2048xf32, #tpu.memory_space<vmem>> -> memref<128xf32, #tpu.memory_space<vmem>>
      %dma_start3A_63 = arith.constant 384 : i32
      %dma_start3A_64 = tpu.memref_slice %arg7[%dma_start3A_63] : memref<2048xi32, #tpu.memory_space<vmem>> -> memref<128xi32, #tpu.memory_space<vmem>>
      %dma_start3A_65 = arith.constant 0 : i32
      %dma_start3A_66 = tpu.memref_slice %arg3[%dma_start3A_65] : memref<16777216xf32, #tpu.memory_space<hbm>> -> memref<16777216xf32, #tpu.memory_space<hbm>>
      tpu.enqueue_indirect_dma source(%dma_start3A_66 : memref<16777216xf32, #tpu.memory_space<hbm>>) target(%dma_start3A_62 : memref<128xf32, #tpu.memory_space<vmem>>) offsets(%dma_start3A_64 : memref<128xi32, #tpu.memory_space<vmem>>) semaphore(%arg13 : memref<!tpu.dma_semaphore, #tpu.memory_space<semaphore_mem>>)
      %dma_start3A_67 = arith.constant 512 : i32
      %dma_start3A_68 = tpu.memref_slice %arg9[%dma_start3A_67] : memref<2048xf32, #tpu.memory_space<vmem>> -> memref<128xf32, #tpu.memory_space<vmem>>
      %dma_start3A_69 = arith.constant 512 : i32
      %dma_start3A_70 = tpu.memref_slice %arg7[%dma_start3A_69] : memref<2048xi32, #tpu.memory_space<vmem>> -> memref<128xi32, #tpu.memory_space<vmem>>
      %dma_start3A_71 = arith.constant 0 : i32
      %dma_start3A_72 = tpu.memref_slice %arg3[%dma_start3A_71] : memref<16777216xf32, #tpu.memory_space<hbm>> -> memref<16777216xf32, #tpu.memory_space<hbm>>
      tpu.enqueue_indirect_dma source(%dma_start3A_72 : memref<16777216xf32, #tpu.memory_space<hbm>>) target(%dma_start3A_68 : memref<128xf32, #tpu.memory_space<vmem>>) offsets(%dma_start3A_70 : memref<128xi32, #tpu.memory_space<vmem>>) semaphore(%arg13 : memref<!tpu.dma_semaphore, #tpu.memory_space<semaphore_mem>>)
      %dma_start3A_73 = arith.constant 640 : i32
      %dma_start3A_74 = tpu.memref_slice %arg9[%dma_start3A_73] : memref<2048xf32, #tpu.memory_space<vmem>> -> memref<128xf32, #tpu.memory_space<vmem>>
      %dma_start3A_75 = arith.constant 640 : i32
      %dma_start3A_76 = tpu.memref_slice %arg7[%dma_start3A_75] : memref<2048xi32, #tpu.memory_space<vmem>> -> memref<128xi32, #tpu.memory_space<vmem>>
      %dma_start3A_77 = arith.constant 0 : i32
      %dma_start3A_78 = tpu.memref_slice %arg3[%dma_start3A_77] : memref<16777216xf32, #tpu.memory_space<hbm>> -> memref<16777216xf32, #tpu.memory_space<hbm>>
      tpu.enqueue_indirect_dma source(%dma_start3A_78 : memref<16777216xf32, #tpu.memory_space<hbm>>) target(%dma_start3A_74 : memref<128xf32, #tpu.memory_space<vmem>>) offsets(%dma_start3A_76 : memref<128xi32, #tpu.memory_space<vmem>>) semaphore(%arg13 : memref<!tpu.dma_semaphore, #tpu.memory_space<semaphore_mem>>)
      %dma_start3A_79 = arith.constant 768 : i32
      %dma_start3A_80 = tpu.memref_slice %arg9[%dma_start3A_79] : memref<2048xf32, #tpu.memory_space<vmem>> -> memref<128xf32, #tpu.memory_space<vmem>>
      %dma_start3A_81 = arith.constant 768 : i32
      %dma_start3A_82 = tpu.memref_slice %arg7[%dma_start3A_81] : memref<2048xi32, #tpu.memory_space<vmem>> -> memref<128xi32, #tpu.memory_space<vmem>>
      %dma_start3A_83 = arith.constant 0 : i32
      %dma_start3A_84 = tpu.memref_slice %arg3[%dma_start3A_83] : memref<16777216xf32, #tpu.memory_space<hbm>> -> memref<16777216xf32, #tpu.memory_space<hbm>>
      tpu.enqueue_indirect_dma source(%dma_start3A_84 : memref<16777216xf32, #tpu.memory_space<hbm>>) target(%dma_start3A_80 : memref<128xf32, #tpu.memory_space<vmem>>) offsets(%dma_start3A_82 : memref<128xi32, #tpu.memory_space<vmem>>) semaphore(%arg13 : memref<!tpu.dma_semaphore, #tpu.memory_space<semaphore_mem>>)
      %dma_start3A_85 = arith.constant 896 : i32
      %dma_start3A_86 = tpu.memref_slice %arg9[%dma_start3A_85] : memref<2048xf32, #tpu.memory_space<vmem>> -> memref<128xf32, #tpu.memory_space<vmem>>
      %dma_start3A_87 = arith.constant 896 : i32
      %dma_start3A_88 = tpu.memref_slice %arg7[%dma_start3A_87] : memref<2048xi32, #tpu.memory_space<vmem>> -> memref<128xi32, #tpu.memory_space<vmem>>
      %dma_start3A_89 = arith.constant 0 : i32
      %dma_start3A_90 = tpu.memref_slice %arg3[%dma_start3A_89] : memref<16777216xf32, #tpu.memory_space<hbm>> -> memref<16777216xf32, #tpu.memory_space<hbm>>
      tpu.enqueue_indirect_dma source(%dma_start3A_90 : memref<16777216xf32, #tpu.memory_space<hbm>>) target(%dma_start3A_86 : memref<128xf32, #tpu.memory_space<vmem>>) offsets(%dma_start3A_88 : memref<128xi32, #tpu.memory_space<vmem>>) semaphore(%arg13 : memref<!tpu.dma_semaphore, #tpu.memory_space<semaphore_mem>>)
      %dma_start3A_91 = arith.constant 1024 : i32
      %dma_start3A_92 = tpu.memref_slice %arg9[%dma_start3A_91] : memref<2048xf32, #tpu.memory_space<vmem>> -> memref<128xf32, #tpu.memory_space<vmem>>
      %dma_start3A_93 = arith.constant 1024 : i32
      %dma_start3A_94 = tpu.memref_slice %arg7[%dma_start3A_93] : memref<2048xi32, #tpu.memory_space<vmem>> -> memref<128xi32, #tpu.memory_space<vmem>>
      %dma_start3A_95 = arith.constant 0 : i32
      %dma_start3A_96 = tpu.memref_slice %arg3[%dma_start3A_95] : memref<16777216xf32, #tpu.memory_space<hbm>> -> memref<16777216xf32, #tpu.memory_space<hbm>>
      tpu.enqueue_indirect_dma source(%dma_start3A_96 : memref<16777216xf32, #tpu.memory_space<hbm>>) target(%dma_start3A_92 : memref<128xf32, #tpu.memory_space<vmem>>) offsets(%dma_start3A_94 : memref<128xi32, #tpu.memory_space<vmem>>) semaphore(%arg13 : memref<!tpu.dma_semaphore, #tpu.memory_space<semaphore_mem>>)
      %dma_start3A_97 = arith.constant 1152 : i32
      %dma_start3A_98 = tpu.memref_slice %arg9[%dma_start3A_97] : memref<2048xf32, #tpu.memory_space<vmem>> -> memref<128xf32, #tpu.memory_space<vmem>>
      %dma_start3A_99 = arith.constant 1152 : i32
      %dma_start3A_100 = tpu.memref_slice %arg7[%dma_start3A_99] : memref<2048xi32, #tpu.memory_space<vmem>> -> memref<128xi32, #tpu.memory_space<vmem>>
      %dma_start3A_101 = arith.constant 0 : i32
      %dma_start3A_102 = tpu.memref_slice %arg3[%dma_start3A_101] : memref<16777216xf32, #tpu.memory_space<hbm>> -> memref<16777216xf32, #tpu.memory_space<hbm>>
      tpu.enqueue_indirect_dma source(%dma_start3A_102 : memref<16777216xf32, #tpu.memory_space<hbm>>) target(%dma_start3A_98 : memref<128xf32, #tpu.memory_space<vmem>>) offsets(%dma_start3A_100 : memref<128xi32, #tpu.memory_space<vmem>>) semaphore(%arg13 : memref<!tpu.dma_semaphore, #tpu.memory_space<semaphore_mem>>)
      %dma_start3A_103 = arith.constant 1280 : i32
      %dma_start3A_104 = tpu.memref_slice %arg9[%dma_start3A_103] : memref<2048xf32, #tpu.memory_space<vmem>> -> memref<128xf32, #tpu.memory_space<vmem>>
      %dma_start3A_105 = arith.constant 1280 : i32
      %dma_start3A_106 = tpu.memref_slice %arg7[%dma_start3A_105] : memref<2048xi32, #tpu.memory_space<vmem>> -> memref<128xi32, #tpu.memory_space<vmem>>
      %dma_start3A_107 = arith.constant 0 : i32
      %dma_start3A_108 = tpu.memref_slice %arg3[%dma_start3A_107] : memref<16777216xf32, #tpu.memory_space<hbm>> -> memref<16777216xf32, #tpu.memory_space<hbm>>
      tpu.enqueue_indirect_dma source(%dma_start3A_108 : memref<16777216xf32, #tpu.memory_space<hbm>>) target(%dma_start3A_104 : memref<128xf32, #tpu.memory_space<vmem>>) offsets(%dma_start3A_106 : memref<128xi32, #tpu.memory_space<vmem>>) semaphore(%arg13 : memref<!tpu.dma_semaphore, #tpu.memory_space<semaphore_mem>>)
      %dma_start3A_109 = arith.constant 1408 : i32
      %dma_start3A_110 = tpu.memref_slice %arg9[%dma_start3A_109] : memref<2048xf32, #tpu.memory_space<vmem>> -> memref<128xf32, #tpu.memory_space<vmem>>
      %dma_start3A_111 = arith.constant 1408 : i32
      %dma_start3A_112 = tpu.memref_slice %arg7[%dma_start3A_111] : memref<2048xi32, #tpu.memory_space<vmem>> -> memref<128xi32, #tpu.memory_space<vmem>>
      %dma_start3A_113 = arith.constant 0 : i32
      %dma_start3A_114 = tpu.memref_slice %arg3[%dma_start3A_113] : memref<16777216xf32, #tpu.memory_space<hbm>> -> memref<16777216xf32, #tpu.memory_space<hbm>>
      tpu.enqueue_indirect_dma source(%dma_start3A_114 : memref<16777216xf32, #tpu.memory_space<hbm>>) target(%dma_start3A_110 : memref<128xf32, #tpu.memory_space<vmem>>) offsets(%dma_start3A_112 : memref<128xi32, #tpu.memory_space<vmem>>) semaphore(%arg13 : memref<!tpu.dma_semaphore, #tpu.memory_space<semaphore_mem>>)
      %dma_start3A_115 = arith.constant 1536 : i32
      %dma_start3A_116 = tpu.memref_slice %arg9[%dma_start3A_115] : memref<2048xf32, #tpu.memory_space<vmem>> -> memref<128xf32, #tpu.memory_space<vmem>>
      %dma_start3A_117 = arith.constant 1536 : i32
      %dma_start3A_118 = tpu.memref_slice %arg7[%dma_start3A_117] : memref<2048xi32, #tpu.memory_space<vmem>> -> memref<128xi32, #tpu.memory_space<vmem>>
      %dma_start3A_119 = arith.constant 0 : i32
      %dma_start3A_120 = tpu.memref_slice %arg3[%dma_start3A_119] : memref<16777216xf32, #tpu.memory_space<hbm>> -> memref<16777216xf32, #tpu.memory_space<hbm>>
      tpu.enqueue_indirect_dma source(%dma_start3A_120 : memref<16777216xf32, #tpu.memory_space<hbm>>) target(%dma_start3A_116 : memref<128xf32, #tpu.memory_space<vmem>>) offsets(%dma_start3A_118 : memref<128xi32, #tpu.memory_space<vmem>>) semaphore(%arg13 : memref<!tpu.dma_semaphore, #tpu.memory_space<semaphore_mem>>)
      %dma_start3A_121 = arith.constant 1664 : i32
      %dma_start3A_122 = tpu.memref_slice %arg9[%dma_start3A_121] : memref<2048xf32, #tpu.memory_space<vmem>> -> memref<128xf32, #tpu.memory_space<vmem>>
      %dma_start3A_123 = arith.constant 1664 : i32
      %dma_start3A_124 = tpu.memref_slice %arg7[%dma_start3A_123] : memref<2048xi32, #tpu.memory_space<vmem>> -> memref<128xi32, #tpu.memory_space<vmem>>
      %dma_start3A_125 = arith.constant 0 : i32
      %dma_start3A_126 = tpu.memref_slice %arg3[%dma_start3A_125] : memref<16777216xf32, #tpu.memory_space<hbm>> -> memref<16777216xf32, #tpu.memory_space<hbm>>
      tpu.enqueue_indirect_dma source(%dma_start3A_126 : memref<16777216xf32, #tpu.memory_space<hbm>>) target(%dma_start3A_122 : memref<128xf32, #tpu.memory_space<vmem>>) offsets(%dma_start3A_124 : memref<128xi32, #tpu.memory_space<vmem>>) semaphore(%arg13 : memref<!tpu.dma_semaphore, #tpu.memory_space<semaphore_mem>>)
      %dma_start3A_127 = arith.constant 1792 : i32
      %dma_start3A_128 = tpu.memref_slice %arg9[%dma_start3A_127] : memref<2048xf32, #tpu.memory_space<vmem>> -> memref<128xf32, #tpu.memory_space<vmem>>
      %dma_start3A_129 = arith.constant 1792 : i32
      %dma_start3A_130 = tpu.memref_slice %arg7[%dma_start3A_129] : memref<2048xi32, #tpu.memory_space<vmem>> -> memref<128xi32, #tpu.memory_space<vmem>>
      %dma_start3A_131 = arith.constant 0 : i32
      %dma_start3A_132 = tpu.memref_slice %arg3[%dma_start3A_131] : memref<16777216xf32, #tpu.memory_space<hbm>> -> memref<16777216xf32, #tpu.memory_space<hbm>>
      tpu.enqueue_indirect_dma source(%dma_start3A_132 : memref<16777216xf32, #tpu.memory_space<hbm>>) target(%dma_start3A_128 : memref<128xf32, #tpu.memory_space<vmem>>) offsets(%dma_start3A_130 : memref<128xi32, #tpu.memory_space<vmem>>) semaphore(%arg13 : memref<!tpu.dma_semaphore, #tpu.memory_space<semaphore_mem>>)
      %dma_start3A_133 = arith.constant 1920 : i32
      %dma_start3A_134 = tpu.memref_slice %arg9[%dma_start3A_133] : memref<2048xf32, #tpu.memory_space<vmem>> -> memref<128xf32, #tpu.memory_space<vmem>>
      %dma_start3A_135 = arith.constant 1920 : i32
      %dma_start3A_136 = tpu.memref_slice %arg7[%dma_start3A_135] : memref<2048xi32, #tpu.memory_space<vmem>> -> memref<128xi32, #tpu.memory_space<vmem>>
      %dma_start3A_137 = arith.constant 0 : i32
      %dma_start3A_138 = tpu.memref_slice %arg3[%dma_start3A_137] : memref<16777216xf32, #tpu.memory_space<hbm>> -> memref<16777216xf32, #tpu.memory_space<hbm>>
      tpu.enqueue_indirect_dma source(%dma_start3A_138 : memref<16777216xf32, #tpu.memory_space<hbm>>) target(%dma_start3A_134 : memref<128xf32, #tpu.memory_space<vmem>>) offsets(%dma_start3A_136 : memref<128xi32, #tpu.memory_space<vmem>>) semaphore(%arg13 : memref<!tpu.dma_semaphore, #tpu.memory_space<semaphore_mem>>)
      %gt3A_139 = arith.constant 0 : i32
      %gt3A_140 = arith.cmpi sgt, %add3A_28, %gt3A_139 : i32
      %convert_element_type3A_141 = arith.extui %gt3A_140 : i1 to i32
      %cond3A_142 = arith.constant 0 : i32
      %cond3A_143 = arith.cmpi ne, %convert_element_type3A_141, %cond3A_142 : i32
      scf.if %cond3A_143 {
        %dma_wait3A_268 = arith.constant 0 : i32
        %dma_wait3A_269 = tpu.memref_slice %arg3[%dma_wait3A_268] : memref<16777216xf32, #tpu.memory_space<hbm>> -> memref<2048xf32, #tpu.memory_space<hbm>>
        %dma_wait3A_270 = arith.constant 0 : i32
        %dma_wait3A_271 = tpu.memref_slice %arg3[%dma_wait3A_270] : memref<16777216xf32, #tpu.memory_space<hbm>> -> memref<2048xf32, #tpu.memory_space<hbm>>
        tpu.wait_dma2 semaphore(%arg14 : memref<!tpu.dma_semaphore, #tpu.memory_space<semaphore_mem>>) src(%dma_wait3A_271 : memref<2048xf32, #tpu.memory_space<hbm>>) dst(%arg10 : memref<2048xf32, #tpu.memory_space<vmem>>)
        %sub3A = arith.constant 1 : i32
        %sub3A_272 = arith.subi %add3A_28, %sub3A : i32
        %mul3A_273 = arith.constant 2048 : i32
        %mul3A_274 = arith.muli %sub3A_272, %mul3A_273 : i32
        %add3A_275 = arith.addi %mul3A_2, %mul3A_274 : i32
        %dma_start3A_276 = tpu.memref_slice %arg4[%add3A_275] : memref<4194304xf32, #tpu.memory_space<hbm>> -> memref<2048xf32, #tpu.memory_space<hbm>>
        %dma_start3A_277 = tpu.memref_slice %arg4[%add3A_275] : memref<4194304xf32, #tpu.memory_space<hbm>> -> memref<2048xf32, #tpu.memory_space<hbm>>
        tpu.enqueue_dma source(%arg10 : memref<2048xf32, #tpu.memory_space<vmem>>) target(%dma_start3A_277 : memref<2048xf32, #tpu.memory_space<hbm>>) target_semaphore(%arg16 : memref<!tpu.dma_semaphore, #tpu.memory_space<semaphore_mem>>)
      } else {
      }
      %mul3A_144 = arith.constant 2 : i32
      %mul3A_145 = arith.muli %scan3A_24, %mul3A_144 : i32
      %add3A_146 = arith.constant 1 : i32
      %add3A_147 = arith.addi %mul3A_145, %add3A_146 : i32
      %add3A_148 = arith.constant 1 : i32
      %add3A_149 = arith.addi %add3A_147, %add3A_148 : i32
      %lt3A_150 = arith.constant 64 : i32
      %lt3A_151 = arith.cmpi slt, %add3A_149, %lt3A_150 : i32
      %convert_element_type3A_152 = arith.extui %lt3A_151 : i1 to i32
      %cond3A_153 = arith.constant 0 : i32
      %cond3A_154 = arith.cmpi ne, %convert_element_type3A_152, %cond3A_153 : i32
      scf.if %cond3A_154 {
        %add3A_268 = arith.constant 1 : i32
        %add3A_269 = arith.addi %add3A_147, %add3A_268 : i32
        %mul3A_270 = arith.constant 2048 : i32
        %mul3A_271 = arith.muli %add3A_269, %mul3A_270 : i32
        %add3A_272 = arith.addi %mul3A_2, %mul3A_271 : i32
        %mul3A_273 = arith.constant 2 : i32
        %mul3A_274 = arith.muli %add3A_272, %mul3A_273 : i32
        %dma_start3A_275 = tpu.memref_slice %arg2[%mul3A_274] : memref<8388608xf32, #tpu.memory_space<hbm>> -> memref<4096xf32, #tpu.memory_space<hbm>>
        %dma_start3A_276 = tpu.memref_slice %arg2[%mul3A_274] : memref<8388608xf32, #tpu.memory_space<hbm>> -> memref<4096xf32, #tpu.memory_space<hbm>>
        tpu.enqueue_dma source(%dma_start3A_276 : memref<4096xf32, #tpu.memory_space<hbm>>) target(%arg5 : memref<4096xf32, #tpu.memory_space<vmem>>) target_semaphore(%arg11 : memref<!tpu.dma_semaphore, #tpu.memory_space<semaphore_mem>>)
      } else {
      }
      %dma_wait3A_155 = arith.constant 0 : i32
      %dma_wait3A_156 = tpu.memref_slice %arg2[%dma_wait3A_155] : memref<8388608xf32, #tpu.memory_space<hbm>> -> memref<4096xf32, #tpu.memory_space<hbm>>
      %dma_wait3A_157 = arith.constant 0 : i32
      %dma_wait3A_158 = tpu.memref_slice %arg2[%dma_wait3A_157] : memref<8388608xf32, #tpu.memory_space<hbm>> -> memref<4096xf32, #tpu.memory_space<hbm>>
      tpu.wait_dma2 semaphore(%arg12 : memref<!tpu.dma_semaphore, #tpu.memory_space<semaphore_mem>>) src(%dma_wait3A_158 : memref<4096xf32, #tpu.memory_space<hbm>>) dst(%arg6 : memref<4096xf32, #tpu.memory_space<vmem>>)
      %parallel_loop3A_159 = arith.constant 0 : i32
      %parallel_loop3A_160 = arith.constant 128 : i32
      %parallel_loop3A_161 = arith.constant 1 : i32
      scf.for %parallel_loop3A_268 = %parallel_loop3A_159 to %parallel_loop3A_160 step %parallel_loop3A_161  : i32 {
        %parallel_loop3A_269 = arith.constant 3 : i32
        %parallel_loop3A_270 = arith.shrsi %parallel_loop3A_268, %parallel_loop3A_269 : i32
        %parallel_loop3A_271 = arith.constant 256 : i32
        %parallel_loop3A_272 = arith.muli %parallel_loop3A_270, %parallel_loop3A_271 : i32
        %parallel_loop3A_273 = arith.constant 7 : i32
        %parallel_loop3A_274 = arith.andi %parallel_loop3A_268, %parallel_loop3A_273 : i32
        %parallel_loop3A_275 = arith.constant 16 : i32
        %parallel_loop3A_276 = arith.muli %parallel_loop3A_274, %parallel_loop3A_275 : i32
        %parallel_loop3A_277 = arith.addi %parallel_loop3A_272, %parallel_loop3A_276 : i32
        %parallel_loop3A_278 = arith.index_cast %parallel_loop3A_277 : i32 to index
        %parallel_loop3A_279 = tpu.vector_load %arg6[%parallel_loop3A_278] {strides = array<i32>} : memref<4096xf32, #tpu.memory_space<vmem>>, vector<16xf32>,
        %parallel_loop3A_280 = arith.constant 128 : i32
        %parallel_loop3A_281 = arith.addi %parallel_loop3A_277, %parallel_loop3A_280 : i32
        %parallel_loop3A_282 = arith.index_cast %parallel_loop3A_281 : i32 to index
        %parallel_loop3A_283 = tpu.vector_load %arg6[%parallel_loop3A_282] {strides = array<i32>} : memref<4096xf32, #tpu.memory_space<vmem>>, vector<16xf32>,
        %parallel_loop3A_284 = arith.constant 2.000000e+00 : f32
        %parallel_loop3A_285 = vector.broadcast %parallel_loop3A_284 : f32 to vector<16xf32>
        %parallel_loop3A_286 = arith.mulf %parallel_loop3A_279, %parallel_loop3A_285 : vector<16xf32>
        %parallel_loop3A_287 = arith.constant 1.000000e+00 : f32
        %parallel_loop3A_288 = vector.broadcast %parallel_loop3A_287 : f32 to vector<16xf32>
        %parallel_loop3A_289 = arith.subf %parallel_loop3A_286, %parallel_loop3A_288 : vector<16xf32>
        %parallel_loop3A_290 = arith.constant 1.000000e+00 : f32
        %parallel_loop3A_291 = vector.broadcast %parallel_loop3A_290 : f32 to vector<16xf32>
        %parallel_loop3A_292 = arith.addf %parallel_loop3A_289, %parallel_loop3A_291 : vector<16xf32>
        %parallel_loop3A_293 = arith.constant 5.000000e-01 : f32
        %parallel_loop3A_294 = vector.broadcast %parallel_loop3A_293 : f32 to vector<16xf32>
        %parallel_loop3A_295 = arith.mulf %parallel_loop3A_292, %parallel_loop3A_294 : vector<16xf32>
        %parallel_loop3A_296 = arith.constant 4.095000e+03 : f32
        %parallel_loop3A_297 = vector.broadcast %parallel_loop3A_296 : f32 to vector<16xf32>
        %parallel_loop3A_298 = arith.mulf %parallel_loop3A_295, %parallel_loop3A_297 : vector<16xf32>
        %parallel_loop3A_299 = arith.constant 2.000000e+00 : f32
        %parallel_loop3A_300 = vector.broadcast %parallel_loop3A_299 : f32 to vector<16xf32>
        %parallel_loop3A_301 = arith.mulf %parallel_loop3A_283, %parallel_loop3A_300 : vector<16xf32>
        %parallel_loop3A_302 = arith.constant 1.000000e+00 : f32
        %parallel_loop3A_303 = vector.broadcast %parallel_loop3A_302 : f32 to vector<16xf32>
        %parallel_loop3A_304 = arith.subf %parallel_loop3A_301, %parallel_loop3A_303 : vector<16xf32>
        %parallel_loop3A_305 = arith.constant 1.000000e+00 : f32
        %parallel_loop3A_306 = vector.broadcast %parallel_loop3A_305 : f32 to vector<16xf32>
        %parallel_loop3A_307 = arith.addf %parallel_loop3A_304, %parallel_loop3A_306 : vector<16xf32>
        %parallel_loop3A_308 = arith.constant 5.000000e-01 : f32
        %parallel_loop3A_309 = vector.broadcast %parallel_loop3A_308 : f32 to vector<16xf32>
        %parallel_loop3A_310 = arith.mulf %parallel_loop3A_307, %parallel_loop3A_309 : vector<16xf32>
        %parallel_loop3A_311 = arith.constant 4.095000e+03 : f32
        %parallel_loop3A_312 = vector.broadcast %parallel_loop3A_311 : f32 to vector<16xf32>
        %parallel_loop3A_313 = arith.mulf %parallel_loop3A_310, %parallel_loop3A_312 : vector<16xf32>
        %parallel_loop3A_314 = arith.constant 0x4B400000 : f32
        %parallel_loop3A_315 = vector.broadcast %parallel_loop3A_314 : f32 to vector<16xf32>
        %parallel_loop3A_316 = arith.addf %parallel_loop3A_298, %parallel_loop3A_315 : vector<16xf32>
        %parallel_loop3A_317 = arith.constant 0x4B400000 : f32
        %parallel_loop3A_318 = vector.broadcast %parallel_loop3A_317 : f32 to vector<16xf32>
        %parallel_loop3A_319 = arith.subf %parallel_loop3A_316, %parallel_loop3A_318 : vector<16xf32>
        %parallel_loop3A_320 = arith.constant 0x4B400000 : f32
        %parallel_loop3A_321 = vector.broadcast %parallel_loop3A_320 : f32 to vector<16xf32>
        %parallel_loop3A_322 = arith.addf %parallel_loop3A_313, %parallel_loop3A_321 : vector<16xf32>
        %parallel_loop3A_323 = arith.constant 0x4B400000 : f32
        %parallel_loop3A_324 = vector.broadcast %parallel_loop3A_323 : f32 to vector<16xf32>
        %parallel_loop3A_325 = arith.subf %parallel_loop3A_322, %parallel_loop3A_324 : vector<16xf32>
        %parallel_loop3A_326 = arith.fptosi %parallel_loop3A_319 : vector<16xf32> to vector<16xi32>
        %parallel_loop3A_327 = arith.fptosi %parallel_loop3A_325 : vector<16xf32> to vector<16xi32>
        %parallel_loop3A_328 = arith.constant 3 : i32
        %parallel_loop3A_329 = vector.broadcast %parallel_loop3A_328 : i32 to vector<16xi32>
        %parallel_loop3A_330 = arith.shrsi %parallel_loop3A_326, %parallel_loop3A_329 : vector<16xi32>
        %parallel_loop3A_331 = arith.constant 15 : i32
        %parallel_loop3A_332 = vector.broadcast %parallel_loop3A_331 : i32 to vector<16xi32>
        %parallel_loop3A_333 = arith.shli %parallel_loop3A_330, %parallel_loop3A_332 : vector<16xi32>
        %parallel_loop3A_334 = arith.constant 7 : i32
        %parallel_loop3A_335 = vector.broadcast %parallel_loop3A_334 : i32 to vector<16xi32>
        %parallel_loop3A_336 = arith.shrsi %parallel_loop3A_327, %parallel_loop3A_335 : vector<16xi32>
        %parallel_loop3A_337 = arith.constant 10 : i32
        %parallel_loop3A_338 = vector.broadcast %parallel_loop3A_337 : i32 to vector<16xi32>
        %parallel_loop3A_339 = arith.shli %parallel_loop3A_336, %parallel_loop3A_338 : vector<16xi32>
        %parallel_loop3A_340 = arith.ori %parallel_loop3A_333, %parallel_loop3A_339 : vector<16xi32>
        %parallel_loop3A_341 = arith.constant 7 : i32
        %parallel_loop3A_342 = vector.broadcast %parallel_loop3A_341 : i32 to vector<16xi32>
        %parallel_loop3A_343 = arith.andi %parallel_loop3A_326, %parallel_loop3A_342 : vector<16xi32>
        %parallel_loop3A_344 = arith.constant 7 : i32
        %parallel_loop3A_345 = vector.broadcast %parallel_loop3A_344 : i32 to vector<16xi32>
        %parallel_loop3A_346 = arith.shli %parallel_loop3A_343, %parallel_loop3A_345 : vector<16xi32>
        %parallel_loop3A_347 = arith.ori %parallel_loop3A_340, %parallel_loop3A_346 : vector<16xi32>
        %parallel_loop3A_348 = arith.constant 127 : i32
        %parallel_loop3A_349 = vector.broadcast %parallel_loop3A_348 : i32 to vector<16xi32>
        %parallel_loop3A_350 = arith.andi %parallel_loop3A_327, %parallel_loop3A_349 : vector<16xi32>
        %parallel_loop3A_351 = arith.ori %parallel_loop3A_347, %parallel_loop3A_350 : vector<16xi32>
        %parallel_loop3A_352 = arith.constant 16 : i32
        %parallel_loop3A_353 = arith.muli %parallel_loop3A_268, %parallel_loop3A_352 : i32
        %parallel_loop3A_354 = arith.index_cast %parallel_loop3A_353 : i32 to index
        %parallel_loop3A_355 = tpu.vector_load %arg8[%parallel_loop3A_354] {strides = array<i32>} : memref<2048xi32, #tpu.memory_space<vmem>>, vector<16xi32>,
        tpu.vector_store %arg8[%parallel_loop3A_354], %parallel_loop3A_351 {strides = array<i32>} : memref<2048xi32, #tpu.memory_space<vmem>>, vector<16xi32>,
      } {sc.loop_unroll_factor = 4 : i64, sc.parallel_access}
      %gt3A_162 = arith.constant 1 : i32
      %gt3A_163 = arith.cmpi sgt, %add3A_147, %gt3A_162 : i32
      %convert_element_type3A_164 = arith.extui %gt3A_163 : i1 to i32
      %cond3A_165 = arith.constant 0 : i32
      %cond3A_166 = arith.cmpi ne, %convert_element_type3A_164, %cond3A_165 : i32
      scf.if %cond3A_166 {
        %dma_wait3A_268 = tpu.memref_slice %arg4[%mul3A_2] : memref<4194304xf32, #tpu.memory_space<hbm>> -> memref<2048xf32, #tpu.memory_space<hbm>>
        %dma_wait3A_269 = tpu.memref_slice %arg4[%mul3A_2] : memref<4194304xf32, #tpu.memory_space<hbm>> -> memref<2048xf32, #tpu.memory_space<hbm>>
        tpu.wait_dma2 semaphore(%arg16 : memref<!tpu.dma_semaphore, #tpu.memory_space<semaphore_mem>>) src(%arg10 : memref<2048xf32, #tpu.memory_space<vmem>>) dst(%dma_wait3A_269 : memref<2048xf32, #tpu.memory_space<hbm>>)
      } else {
      }
      %dma_start3A_167 = arith.constant 0 : i32
      %dma_start3A_168 = tpu.memref_slice %arg10[%dma_start3A_167] : memref<2048xf32, #tpu.memory_space<vmem>> -> memref<128xf32, #tpu.memory_space<vmem>>
      %dma_start3A_169 = arith.constant 0 : i32
      %dma_start3A_170 = tpu.memref_slice %arg8[%dma_start3A_169] : memref<2048xi32, #tpu.memory_space<vmem>> -> memref<128xi32, #tpu.memory_space<vmem>>
      %dma_start3A_171 = arith.constant 0 : i32
      %dma_start3A_172 = tpu.memref_slice %arg3[%dma_start3A_171] : memref<16777216xf32, #tpu.memory_space<hbm>> -> memref<16777216xf32, #tpu.memory_space<hbm>>
      tpu.enqueue_indirect_dma source(%dma_start3A_172 : memref<16777216xf32, #tpu.memory_space<hbm>>) target(%dma_start3A_168 : memref<128xf32, #tpu.memory_space<vmem>>) offsets(%dma_start3A_170 : memref<128xi32, #tpu.memory_space<vmem>>) semaphore(%arg14 : memref<!tpu.dma_semaphore, #tpu.memory_space<semaphore_mem>>)
      %dma_start3A_173 = arith.constant 128 : i32
      %dma_start3A_174 = tpu.memref_slice %arg10[%dma_start3A_173] : memref<2048xf32, #tpu.memory_space<vmem>> -> memref<128xf32, #tpu.memory_space<vmem>>
      %dma_start3A_175 = arith.constant 128 : i32
      %dma_start3A_176 = tpu.memref_slice %arg8[%dma_start3A_175] : memref<2048xi32, #tpu.memory_space<vmem>> -> memref<128xi32, #tpu.memory_space<vmem>>
      %dma_start3A_177 = arith.constant 0 : i32
      %dma_start3A_178 = tpu.memref_slice %arg3[%dma_start3A_177] : memref<16777216xf32, #tpu.memory_space<hbm>> -> memref<16777216xf32, #tpu.memory_space<hbm>>
      tpu.enqueue_indirect_dma source(%dma_start3A_178 : memref<16777216xf32, #tpu.memory_space<hbm>>) target(%dma_start3A_174 : memref<128xf32, #tpu.memory_space<vmem>>) offsets(%dma_start3A_176 : memref<128xi32, #tpu.memory_space<vmem>>) semaphore(%arg14 : memref<!tpu.dma_semaphore, #tpu.memory_space<semaphore_mem>>)
      %dma_start3A_179 = arith.constant 256 : i32
      %dma_start3A_180 = tpu.memref_slice %arg10[%dma_start3A_179] : memref<2048xf32, #tpu.memory_space<vmem>> -> memref<128xf32, #tpu.memory_space<vmem>>
      %dma_start3A_181 = arith.constant 256 : i32
      %dma_start3A_182 = tpu.memref_slice %arg8[%dma_start3A_181] : memref<2048xi32, #tpu.memory_space<vmem>> -> memref<128xi32, #tpu.memory_space<vmem>>
      %dma_start3A_183 = arith.constant 0 : i32
      %dma_start3A_184 = tpu.memref_slice %arg3[%dma_start3A_183] : memref<16777216xf32, #tpu.memory_space<hbm>> -> memref<16777216xf32, #tpu.memory_space<hbm>>
      tpu.enqueue_indirect_dma source(%dma_start3A_184 : memref<16777216xf32, #tpu.memory_space<hbm>>) target(%dma_start3A_180 : memref<128xf32, #tpu.memory_space<vmem>>) offsets(%dma_start3A_182 : memref<128xi32, #tpu.memory_space<vmem>>) semaphore(%arg14 : memref<!tpu.dma_semaphore, #tpu.memory_space<semaphore_mem>>)
      %dma_start3A_185 = arith.constant 384 : i32
      %dma_start3A_186 = tpu.memref_slice %arg10[%dma_start3A_185] : memref<2048xf32, #tpu.memory_space<vmem>> -> memref<128xf32, #tpu.memory_space<vmem>>
      %dma_start3A_187 = arith.constant 384 : i32
      %dma_start3A_188 = tpu.memref_slice %arg8[%dma_start3A_187] : memref<2048xi32, #tpu.memory_space<vmem>> -> memref<128xi32, #tpu.memory_space<vmem>>
      %dma_start3A_189 = arith.constant 0 : i32
      %dma_start3A_190 = tpu.memref_slice %arg3[%dma_start3A_189] : memref<16777216xf32, #tpu.memory_space<hbm>> -> memref<16777216xf32, #tpu.memory_space<hbm>>
      tpu.enqueue_indirect_dma source(%dma_start3A_190 : memref<16777216xf32, #tpu.memory_space<hbm>>) target(%dma_start3A_186 : memref<128xf32, #tpu.memory_space<vmem>>) offsets(%dma_start3A_188 : memref<128xi32, #tpu.memory_space<vmem>>) semaphore(%arg14 : memref<!tpu.dma_semaphore, #tpu.memory_space<semaphore_mem>>)
      %dma_start3A_191 = arith.constant 512 : i32
      %dma_start3A_192 = tpu.memref_slice %arg10[%dma_start3A_191] : memref<2048xf32, #tpu.memory_space<vmem>> -> memref<128xf32, #tpu.memory_space<vmem>>
      %dma_start3A_193 = arith.constant 512 : i32
      %dma_start3A_194 = tpu.memref_slice %arg8[%dma_start3A_193] : memref<2048xi32, #tpu.memory_space<vmem>> -> memref<128xi32, #tpu.memory_space<vmem>>
      %dma_start3A_195 = arith.constant 0 : i32
      %dma_start3A_196 = tpu.memref_slice %arg3[%dma_start3A_195] : memref<16777216xf32, #tpu.memory_space<hbm>> -> memref<16777216xf32, #tpu.memory_space<hbm>>
      tpu.enqueue_indirect_dma source(%dma_start3A_196 : memref<16777216xf32, #tpu.memory_space<hbm>>) target(%dma_start3A_192 : memref<128xf32, #tpu.memory_space<vmem>>) offsets(%dma_start3A_194 : memref<128xi32, #tpu.memory_space<vmem>>) semaphore(%arg14 : memref<!tpu.dma_semaphore, #tpu.memory_space<semaphore_mem>>)
      %dma_start3A_197 = arith.constant 640 : i32
      %dma_start3A_198 = tpu.memref_slice %arg10[%dma_start3A_197] : memref<2048xf32, #tpu.memory_space<vmem>> -> memref<128xf32, #tpu.memory_space<vmem>>
      %dma_start3A_199 = arith.constant 640 : i32
      %dma_start3A_200 = tpu.memref_slice %arg8[%dma_start3A_199] : memref<2048xi32, #tpu.memory_space<vmem>> -> memref<128xi32, #tpu.memory_space<vmem>>
      %dma_start3A_201 = arith.constant 0 : i32
      %dma_start3A_202 = tpu.memref_slice %arg3[%dma_start3A_201] : memref<16777216xf32, #tpu.memory_space<hbm>> -> memref<16777216xf32, #tpu.memory_space<hbm>>
      tpu.enqueue_indirect_dma source(%dma_start3A_202 : memref<16777216xf32, #tpu.memory_space<hbm>>) target(%dma_start3A_198 : memref<128xf32, #tpu.memory_space<vmem>>) offsets(%dma_start3A_200 : memref<128xi32, #tpu.memory_space<vmem>>) semaphore(%arg14 : memref<!tpu.dma_semaphore, #tpu.memory_space<semaphore_mem>>)
      %dma_start3A_203 = arith.constant 768 : i32
      %dma_start3A_204 = tpu.memref_slice %arg10[%dma_start3A_203] : memref<2048xf32, #tpu.memory_space<vmem>> -> memref<128xf32, #tpu.memory_space<vmem>>
      %dma_start3A_205 = arith.constant 768 : i32
      %dma_start3A_206 = tpu.memref_slice %arg8[%dma_start3A_205] : memref<2048xi32, #tpu.memory_space<vmem>> -> memref<128xi32, #tpu.memory_space<vmem>>
      %dma_start3A_207 = arith.constant 0 : i32
      %dma_start3A_208 = tpu.memref_slice %arg3[%dma_start3A_207] : memref<16777216xf32, #tpu.memory_space<hbm>> -> memref<16777216xf32, #tpu.memory_space<hbm>>
      tpu.enqueue_indirect_dma source(%dma_start3A_208 : memref<16777216xf32, #tpu.memory_space<hbm>>) target(%dma_start3A_204 : memref<128xf32, #tpu.memory_space<vmem>>) offsets(%dma_start3A_206 : memref<128xi32, #tpu.memory_space<vmem>>) semaphore(%arg14 : memref<!tpu.dma_semaphore, #tpu.memory_space<semaphore_mem>>)
      %dma_start3A_209 = arith.constant 896 : i32
      %dma_start3A_210 = tpu.memref_slice %arg10[%dma_start3A_209] : memref<2048xf32, #tpu.memory_space<vmem>> -> memref<128xf32, #tpu.memory_space<vmem>>
      %dma_start3A_211 = arith.constant 896 : i32
      %dma_start3A_212 = tpu.memref_slice %arg8[%dma_start3A_211] : memref<2048xi32, #tpu.memory_space<vmem>> -> memref<128xi32, #tpu.memory_space<vmem>>
      %dma_start3A_213 = arith.constant 0 : i32
      %dma_start3A_214 = tpu.memref_slice %arg3[%dma_start3A_213] : memref<16777216xf32, #tpu.memory_space<hbm>> -> memref<16777216xf32, #tpu.memory_space<hbm>>
      tpu.enqueue_indirect_dma source(%dma_start3A_214 : memref<16777216xf32, #tpu.memory_space<hbm>>) target(%dma_start3A_210 : memref<128xf32, #tpu.memory_space<vmem>>) offsets(%dma_start3A_212 : memref<128xi32, #tpu.memory_space<vmem>>) semaphore(%arg14 : memref<!tpu.dma_semaphore, #tpu.memory_space<semaphore_mem>>)
      %dma_start3A_215 = arith.constant 1024 : i32
      %dma_start3A_216 = tpu.memref_slice %arg10[%dma_start3A_215] : memref<2048xf32, #tpu.memory_space<vmem>> -> memref<128xf32, #tpu.memory_space<vmem>>
      %dma_start3A_217 = arith.constant 1024 : i32
      %dma_start3A_218 = tpu.memref_slice %arg8[%dma_start3A_217] : memref<2048xi32, #tpu.memory_space<vmem>> -> memref<128xi32, #tpu.memory_space<vmem>>
      %dma_start3A_219 = arith.constant 0 : i32
      %dma_start3A_220 = tpu.memref_slice %arg3[%dma_start3A_219] : memref<16777216xf32, #tpu.memory_space<hbm>> -> memref<16777216xf32, #tpu.memory_space<hbm>>
      tpu.enqueue_indirect_dma source(%dma_start3A_220 : memref<16777216xf32, #tpu.memory_space<hbm>>) target(%dma_start3A_216 : memref<128xf32, #tpu.memory_space<vmem>>) offsets(%dma_start3A_218 : memref<128xi32, #tpu.memory_space<vmem>>) semaphore(%arg14 : memref<!tpu.dma_semaphore, #tpu.memory_space<semaphore_mem>>)
      %dma_start3A_221 = arith.constant 1152 : i32
      %dma_start3A_222 = tpu.memref_slice %arg10[%dma_start3A_221] : memref<2048xf32, #tpu.memory_space<vmem>> -> memref<128xf32, #tpu.memory_space<vmem>>
      %dma_start3A_223 = arith.constant 1152 : i32
      %dma_start3A_224 = tpu.memref_slice %arg8[%dma_start3A_223] : memref<2048xi32, #tpu.memory_space<vmem>> -> memref<128xi32, #tpu.memory_space<vmem>>
      %dma_start3A_225 = arith.constant 0 : i32
      %dma_start3A_226 = tpu.memref_slice %arg3[%dma_start3A_225] : memref<16777216xf32, #tpu.memory_space<hbm>> -> memref<16777216xf32, #tpu.memory_space<hbm>>
      tpu.enqueue_indirect_dma source(%dma_start3A_226 : memref<16777216xf32, #tpu.memory_space<hbm>>) target(%dma_start3A_222 : memref<128xf32, #tpu.memory_space<vmem>>) offsets(%dma_start3A_224 : memref<128xi32, #tpu.memory_space<vmem>>) semaphore(%arg14 : memref<!tpu.dma_semaphore, #tpu.memory_space<semaphore_mem>>)
      %dma_start3A_227 = arith.constant 1280 : i32
      %dma_start3A_228 = tpu.memref_slice %arg10[%dma_start3A_227] : memref<2048xf32, #tpu.memory_space<vmem>> -> memref<128xf32, #tpu.memory_space<vmem>>
      %dma_start3A_229 = arith.constant 1280 : i32
      %dma_start3A_230 = tpu.memref_slice %arg8[%dma_start3A_229] : memref<2048xi32, #tpu.memory_space<vmem>> -> memref<128xi32, #tpu.memory_space<vmem>>
      %dma_start3A_231 = arith.constant 0 : i32
      %dma_start3A_232 = tpu.memref_slice %arg3[%dma_start3A_231] : memref<16777216xf32, #tpu.memory_space<hbm>> -> memref<16777216xf32, #tpu.memory_space<hbm>>
      tpu.enqueue_indirect_dma source(%dma_start3A_232 : memref<16777216xf32, #tpu.memory_space<hbm>>) target(%dma_start3A_228 : memref<128xf32, #tpu.memory_space<vmem>>) offsets(%dma_start3A_230 : memref<128xi32, #tpu.memory_space<vmem>>) semaphore(%arg14 : memref<!tpu.dma_semaphore, #tpu.memory_space<semaphore_mem>>)
      %dma_start3A_233 = arith.constant 1408 : i32
      %dma_start3A_234 = tpu.memref_slice %arg10[%dma_start3A_233] : memref<2048xf32, #tpu.memory_space<vmem>> -> memref<128xf32, #tpu.memory_space<vmem>>
      %dma_start3A_235 = arith.constant 1408 : i32
      %dma_start3A_236 = tpu.memref_slice %arg8[%dma_start3A_235] : memref<2048xi32, #tpu.memory_space<vmem>> -> memref<128xi32, #tpu.memory_space<vmem>>
      %dma_start3A_237 = arith.constant 0 : i32
      %dma_start3A_238 = tpu.memref_slice %arg3[%dma_start3A_237] : memref<16777216xf32, #tpu.memory_space<hbm>> -> memref<16777216xf32, #tpu.memory_space<hbm>>
      tpu.enqueue_indirect_dma source(%dma_start3A_238 : memref<16777216xf32, #tpu.memory_space<hbm>>) target(%dma_start3A_234 : memref<128xf32, #tpu.memory_space<vmem>>) offsets(%dma_start3A_236 : memref<128xi32, #tpu.memory_space<vmem>>) semaphore(%arg14 : memref<!tpu.dma_semaphore, #tpu.memory_space<semaphore_mem>>)
      %dma_start3A_239 = arith.constant 1536 : i32
      %dma_start3A_240 = tpu.memref_slice %arg10[%dma_start3A_239] : memref<2048xf32, #tpu.memory_space<vmem>> -> memref<128xf32, #tpu.memory_space<vmem>>
      %dma_start3A_241 = arith.constant 1536 : i32
      %dma_start3A_242 = tpu.memref_slice %arg8[%dma_start3A_241] : memref<2048xi32, #tpu.memory_space<vmem>> -> memref<128xi32, #tpu.memory_space<vmem>>
      %dma_start3A_243 = arith.constant 0 : i32
      %dma_start3A_244 = tpu.memref_slice %arg3[%dma_start3A_243] : memref<16777216xf32, #tpu.memory_space<hbm>> -> memref<16777216xf32, #tpu.memory_space<hbm>>
      tpu.enqueue_indirect_dma source(%dma_start3A_244 : memref<16777216xf32, #tpu.memory_space<hbm>>) target(%dma_start3A_240 : memref<128xf32, #tpu.memory_space<vmem>>) offsets(%dma_start3A_242 : memref<128xi32, #tpu.memory_space<vmem>>) semaphore(%arg14 : memref<!tpu.dma_semaphore, #tpu.memory_space<semaphore_mem>>)
      %dma_start3A_245 = arith.constant 1664 : i32
      %dma_start3A_246 = tpu.memref_slice %arg10[%dma_start3A_245] : memref<2048xf32, #tpu.memory_space<vmem>> -> memref<128xf32, #tpu.memory_space<vmem>>
      %dma_start3A_247 = arith.constant 1664 : i32
      %dma_start3A_248 = tpu.memref_slice %arg8[%dma_start3A_247] : memref<2048xi32, #tpu.memory_space<vmem>> -> memref<128xi32, #tpu.memory_space<vmem>>
      %dma_start3A_249 = arith.constant 0 : i32
      %dma_start3A_250 = tpu.memref_slice %arg3[%dma_start3A_249] : memref<16777216xf32, #tpu.memory_space<hbm>> -> memref<16777216xf32, #tpu.memory_space<hbm>>
      tpu.enqueue_indirect_dma source(%dma_start3A_250 : memref<16777216xf32, #tpu.memory_space<hbm>>) target(%dma_start3A_246 : memref<128xf32, #tpu.memory_space<vmem>>) offsets(%dma_start3A_248 : memref<128xi32, #tpu.memory_space<vmem>>) semaphore(%arg14 : memref<!tpu.dma_semaphore, #tpu.memory_space<semaphore_mem>>)
      %dma_start3A_251 = arith.constant 1792 : i32
      %dma_start3A_252 = tpu.memref_slice %arg10[%dma_start3A_251] : memref<2048xf32, #tpu.memory_space<vmem>> -> memref<128xf32, #tpu.memory_space<vmem>>
      %dma_start3A_253 = arith.constant 1792 : i32
      %dma_start3A_254 = tpu.memref_slice %arg8[%dma_start3A_253] : memref<2048xi32, #tpu.memory_space<vmem>> -> memref<128xi32, #tpu.memory_space<vmem>>
      %dma_start3A_255 = arith.constant 0 : i32
      %dma_start3A_256 = tpu.memref_slice %arg3[%dma_start3A_255] : memref<16777216xf32, #tpu.memory_space<hbm>> -> memref<16777216xf32, #tpu.memory_space<hbm>>
      tpu.enqueue_indirect_dma source(%dma_start3A_256 : memref<16777216xf32, #tpu.memory_space<hbm>>) target(%dma_start3A_252 : memref<128xf32, #tpu.memory_space<vmem>>) offsets(%dma_start3A_254 : memref<128xi32, #tpu.memory_space<vmem>>) semaphore(%arg14 : memref<!tpu.dma_semaphore, #tpu.memory_space<semaphore_mem>>)
      %dma_start3A_257 = arith.constant 1920 : i32
      %dma_start3A_258 = tpu.memref_slice %arg10[%dma_start3A_257] : memref<2048xf32, #tpu.memory_space<vmem>> -> memref<128xf32, #tpu.memory_space<vmem>>
      %dma_start3A_259 = arith.constant 1920 : i32
      %dma_start3A_260 = tpu.memref_slice %arg8[%dma_start3A_259] : memref<2048xi32, #tpu.memory_space<vmem>> -> memref<128xi32, #tpu.memory_space<vmem>>
      %dma_start3A_261 = arith.constant 0 : i32
      %dma_start3A_262 = tpu.memref_slice %arg3[%dma_start3A_261] : memref<16777216xf32, #tpu.memory_space<hbm>> -> memref<16777216xf32, #tpu.memory_space<hbm>>
      tpu.enqueue_indirect_dma source(%dma_start3A_262 : memref<16777216xf32, #tpu.memory_space<hbm>>) target(%dma_start3A_258 : memref<128xf32, #tpu.memory_space<vmem>>) offsets(%dma_start3A_260 : memref<128xi32, #tpu.memory_space<vmem>>) semaphore(%arg14 : memref<!tpu.dma_semaphore, #tpu.memory_space<semaphore_mem>>)
      %gt3A_263 = arith.constant 0 : i32
      %gt3A_264 = arith.cmpi sgt, %add3A_147, %gt3A_263 : i32
      %convert_element_type3A_265 = arith.extui %gt3A_264 : i1 to i32
      %cond3A_266 = arith.constant 0 : i32
      %cond3A_267 = arith.cmpi ne, %convert_element_type3A_265, %cond3A_266 : i32
      scf.if %cond3A_267 {
        %dma_wait3A_268 = arith.constant 0 : i32
        %dma_wait3A_269 = tpu.memref_slice %arg3[%dma_wait3A_268] : memref<16777216xf32, #tpu.memory_space<hbm>> -> memref<2048xf32, #tpu.memory_space<hbm>>
        %dma_wait3A_270 = arith.constant 0 : i32
        %dma_wait3A_271 = tpu.memref_slice %arg3[%dma_wait3A_270] : memref<16777216xf32, #tpu.memory_space<hbm>> -> memref<2048xf32, #tpu.memory_space<hbm>>
        tpu.wait_dma2 semaphore(%arg13 : memref<!tpu.dma_semaphore, #tpu.memory_space<semaphore_mem>>) src(%dma_wait3A_271 : memref<2048xf32, #tpu.memory_space<hbm>>) dst(%arg9 : memref<2048xf32, #tpu.memory_space<vmem>>)
        %sub3A = arith.constant 1 : i32
        %sub3A_272 = arith.subi %add3A_147, %sub3A : i32
        %mul3A_273 = arith.constant 2048 : i32
        %mul3A_274 = arith.muli %sub3A_272, %mul3A_273 : i32
        %add3A_275 = arith.addi %mul3A_2, %mul3A_274 : i32
        %dma_start3A_276 = tpu.memref_slice %arg4[%add3A_275] : memref<4194304xf32, #tpu.memory_space<hbm>> -> memref<2048xf32, #tpu.memory_space<hbm>>
        %dma_start3A_277 = tpu.memref_slice %arg4[%add3A_275] : memref<4194304xf32, #tpu.memory_space<hbm>> -> memref<2048xf32, #tpu.memory_space<hbm>>
        tpu.enqueue_dma source(%arg9 : memref<2048xf32, #tpu.memory_space<vmem>>) target(%dma_start3A_277 : memref<2048xf32, #tpu.memory_space<hbm>>) target_semaphore(%arg15 : memref<!tpu.dma_semaphore, #tpu.memory_space<semaphore_mem>>)
      } else {
      }
    }
    %scan3A_12 = arith.constant 32 : i32
    %dma_wait3A = arith.constant 0 : i32
    %dma_wait3A_13 = tpu.memref_slice %arg3[%dma_wait3A] : memref<16777216xf32, #tpu.memory_space<hbm>> -> memref<2048xf32, #tpu.memory_space<hbm>>
    %dma_wait3A_14 = arith.constant 0 : i32
    %dma_wait3A_15 = tpu.memref_slice %arg3[%dma_wait3A_14] : memref<16777216xf32, #tpu.memory_space<hbm>> -> memref<2048xf32, #tpu.memory_space<hbm>>
    tpu.wait_dma2 semaphore(%arg14 : memref<!tpu.dma_semaphore, #tpu.memory_space<semaphore_mem>>) src(%dma_wait3A_15 : memref<2048xf32, #tpu.memory_space<hbm>>) dst(%arg10 : memref<2048xf32, #tpu.memory_space<vmem>>)
    %add3A_16 = arith.constant 129024 : i32
    %add3A_17 = arith.addi %mul3A_2, %add3A_16 : i32
    %dma_start3A_18 = tpu.memref_slice %arg4[%add3A_17] : memref<4194304xf32, #tpu.memory_space<hbm>> -> memref<2048xf32, #tpu.memory_space<hbm>>
    %dma_start3A_19 = tpu.memref_slice %arg4[%add3A_17] : memref<4194304xf32, #tpu.memory_space<hbm>> -> memref<2048xf32, #tpu.memory_space<hbm>>
    tpu.enqueue_dma source(%arg10 : memref<2048xf32, #tpu.memory_space<vmem>>) target(%dma_start3A_19 : memref<2048xf32, #tpu.memory_space<hbm>>) target_semaphore(%arg16 : memref<!tpu.dma_semaphore, #tpu.memory_space<semaphore_mem>>)
    %dma_wait3A_20 = tpu.memref_slice %arg4[%mul3A_2] : memref<4194304xf32, #tpu.memory_space<hbm>> -> memref<2048xf32, #tpu.memory_space<hbm>>
    %dma_wait3A_21 = tpu.memref_slice %arg4[%mul3A_2] : memref<4194304xf32, #tpu.memory_space<hbm>> -> memref<2048xf32, #tpu.memory_space<hbm>>
    tpu.wait_dma2 semaphore(%arg15 : memref<!tpu.dma_semaphore, #tpu.memory_space<semaphore_mem>>) src(%arg9 : memref<2048xf32, #tpu.memory_space<vmem>>) dst(%dma_wait3A_21 : memref<2048xf32, #tpu.memory_space<hbm>>)
    %dma_wait3A_22 = tpu.memref_slice %arg4[%mul3A_2] : memref<4194304xf32, #tpu.memory_space<hbm>> -> memref<2048xf32, #tpu.memory_space<hbm>>
    %dma_wait3A_23 = tpu.memref_slice %arg4[%mul3A_2] : memref<4194304xf32, #tpu.memory_space<hbm>> -> memref<2048xf32, #tpu.memory_space<hbm>>
    tpu.wait_dma2 semaphore(%arg16 : memref<!tpu.dma_semaphore, #tpu.memory_space<semaphore_mem>>) src(%arg10 : memref<2048xf32, #tpu.memory_space<vmem>>) dst(%dma_wait3A_23 : memref<2048xf32, #tpu.memory_space<hbm>>)
    return
  }
}

</mosaic_0001>

<sc_bundles>
// kernel: kernel.3.cloned.1.call-start
scs
__scs_entry_jumppad:
0x0: {  	(pc) =	sbr.rel $0x88, $3  }
0x1: {  	(tag) =	ssettag $0x0;
	lr =	simm.s32 $0x1  }
0x2: {  	[smem:$0x3F9F] =	sst lr;
	_ =	strace $0xD0000000  }
0x3: {  	_ = 	snop  }
0x4: {  	_ = 	snop  }
0x5: {  	_ = 	snop  }
0x6: {  	_ = 	snop  }
0x7: {  	_ = 	snop  }
__scs_overlays_trampoline_lowered:
0x8: {  	[smem:$0x3FAE] =	sst s0  }
0x9: {  	[smem:$0x3FAF] =	sst s1  }
0xa: {  	[smem:$0x3FB0] =	sst s2  }
0xb: {  	[smem:$0x3FB1] =	sst s3  }
0xc: {  	[smem:$0x3FB2] =	sst s4  }
0xd: {  	[smem:$0x3FB3] =	sst s5  }
0xe: {  	[smem:$0x3FB4] =	sst s6  }
0xf: {  	[smem:$0x3FB5] =	sst s7  }
0x10: {  	[smem:$0x3FB6] =	sst s8  }
0x11: {  	[smem:$0x3FB7] =	sst s9;
	s0 =	simm.s32 @!p0 $0x0  }
0x12: {  	s1 =	sld [smem:$0x3F9D];
	s0 =	simm.s32 @p0 $0x1  }
0x13: {  	[smem:$0x3FB8] =	sst s0;
	s0 =	simm.s32 @!p1 $0x0  }
0x14: {  	s2 =	sld [smem:$0x3F9C];
	s0 =	simm.s32 @p1 $0x1  }
0x15: {  	[smem:$0x3FB9] =	sst s0;
	s0 =	simm.s32 @!p2 $0x0  }
0x16: {  	s3 =	sld [smem:$0x3FDB];
	s0 =	simm.s32 @p2 $0x1  }
0x17: {  	s4 =	simm.s32 $0x1BF5;
	[smem:$0x3FBB] =	sst s0  }
0x18: {  	s0 =	sld [smem:$0x3F9E];
	_ =	swait.ge [sflag:s4], $0x0  }
0x19: {  	s7 =	sld [smem:$0x3F9F]  }
0x1a: {  	s8 =	sadd.s32 $0xFFFFE003, lr  }
0x1b: {  	s9 =	sadd.s32 $0xFFFFFEF7, lr;
	s5 =	simm.s32 $0xFFFFFFFF;
	p2 =	slt.u32 s8, $0xFFFFF086  }
0x1c: {  	p1 =	slt.u32 s9, $0xF7A;
	s5 =	simm.s32 @!p2 $0x0  }
0x1d: {  	s5 =	simm.s32 @p1 $0x1;
	p0 =	seq.s32 s7, s2  }
0x1e: {  	s7 =	smul.u32 @!p0 $0xF7A, s2;
	p2 =	seq.s32 @!p0 s5, $0x0  }
0x1f: {  	s9 =	smul.u32 $0xF7A, s1;
	s8 =	simm.s32 @!p0 $0x1BF5;
	p2 =	por !p2, p0  }
0x20: {  	[sflag:s8] =	ssyncset.s32 @!p0 $0xFFFFF086;
	s6 =	sadd.s32 @!p0 s3, s7;
	s7 =	simm.s32 @!p0 $0x108  }
0x21: {  	s3 =	sadd.s32 s3, s9;
	s6 =	sadd.s32 @!p0 $0x88, s6;
	s7 =	simm.s32 @p2 $0x1082  }
0x22: {  	[simem:s7], [sflag:s8] =	dma.local @!p0 [hbm:s6], $0xF7A  }
0x23: {  	s9 =	sor.u32 $0xD0000000, s2;
	s6 =	simm.s32 $0x108;
	_ =	swait.ge @!p0 [sflag:s8], $0x0  }
0x24: {  	s3 =	sadd.s32 $0x88, s3;
	s6 =	simm.s32 @!p1 $0x1082;
	[sflag:s4] =	ssyncset.s32 $0xFFFFF086  }
0x25: {  	[simem:s6], [sflag:s4] =	dma.local [hbm:s3], $0xF7A  }
0x26: {  	[smem:$0x3F9F] =	sst s1;
	(tag) =	ssettag s2;
	_ =	strace s9  }
0x27: {  	s1 =	sld [smem:$0x3FAF]  }
0x28: {  	s2 =	sld [smem:$0x3FB0]  }
0x29: {  	s4 =	sld [smem:$0x3FB2]  }
0x2a: {  	p0 =	seq.s32 s5, $0x0;
	s5 =	sld [smem:$0x3FB3]  }
0x2b: {  	s6 =	sld [smem:$0x3FB4]  }
0x2c: {  	s7 =	sld [smem:$0x3FB5]  }
0x2d: {  	s3 =	simm.s32 $0x108;
	s8 =	sld [smem:$0x3FB6]  }
0x2e: {  	s3 =	simm.s32 @!p0 $0x1082;
	s9 =	sld [smem:$0x3FB7]  }
0x2f: {  	lr =	sadd.s32 s0, s3;
	s0 =	sld [smem:$0x3FAE]  }
0x30: {  	s3 =	sld [smem:$0x3FB1]  }
0x31: {  	[smem:$0x3FBA] =	sst s10  }
0x32: {  	s10 =	sld [smem:$0x3FB8];
	_ =	sdelay $0x3  }
0x33: {  	p0 =	seq.s32 s10, $0x1;
	s10 =	sld [smem:$0x3FBA];
	_ =	sdelay $0x3  }
0x34: {  	[smem:$0x3FBA] =	sst s10  }
0x35: {  	s10 =	sld [smem:$0x3FB9];
	_ =	sdelay $0x3  }
0x36: {  	p1 =	seq.s32 s10, $0x1;
	s10 =	sld [smem:$0x3FBA];
	_ =	sdelay $0x3  }
0x37: {  	[smem:$0x3FBA] =	sst s10  }
0x38: {  	s10 =	sld [smem:$0x3FBB]  }
0x39: {  	_ = 	snop;
	(pc) =	sbr.ind lr, $3  }
0x3a: {  	_ = 	snop  }
0x3b: {  	_ = 	snop  }
0x3c: {  	p2 =	seq.s32 s10, $0x1;
	s10 =	sld [smem:$0x3FBA]  }
0x3d: {  	_ =	shalt  }
0x3e: {  	_ =	shalt  }
0x3f: {  	_ =	shalt  }
0x40: {  	_ =	shalt  }
0x41: {  	_ =	shalt  }
0x42: {  	_ =	shalt  }
0x43: {  	_ =	shalt  }
0x44: {  	_ =	shalt  }
0x45: {  	_ =	shalt  }
0x46: {  	_ =	shalt  }
0x47: {  	_ =	shalt  }
0x48: {  	_ =	shalt  }
0x49: {  	_ =	shalt  }
0x4a: {  	_ =	shalt  }
0x4b: {  	_ =	shalt  }
0x4c: {  	_ =	shalt  }
0x4d: {  	_ =	shalt  }
0x4e: {  	_ =	shalt  }
0x4f: {  	_ =	shalt  }
0x50: {  	_ =	shalt  }
0x51: {  	_ =	shalt  }
0x52: {  	_ =	shalt  }
0x53: {  	_ =	shalt  }
0x54: {  	_ =	shalt  }
0x55: {  	_ =	shalt  }
0x56: {  	_ =	shalt  }
0x57: {  	_ =	shalt  }
0x58: {  	_ =	shalt  }
0x59: {  	_ =	shalt  }
0x5a: {  	_ =	shalt  }
0x5b: {  	_ =	shalt  }
0x5c: {  	_ =	shalt  }
0x5d: {  	_ =	shalt  }
0x5e: {  	_ =	shalt  }
0x5f: {  	_ =	shalt  }
0x60: {  	_ =	shalt  }
0x61: {  	_ =	shalt  }
0x62: {  	_ =	shalt  }
0x63: {  	_ =	shalt  }
0x64: {  	_ =	shalt  }
0x65: {  	_ =	shalt  }
0x66: {  	_ =	shalt  }
0x67: {  	_ =	shalt  }
0x68: {  	_ =	shalt  }
0x69: {  	_ =	shalt  }
0x6a: {  	_ =	shalt  }
0x6b: {  	_ =	shalt  }
0x6c: {  	_ =	shalt  }
0x6d: {  	_ =	shalt  }
0x6e: {  	_ =	shalt  }
0x6f: {  	_ =	shalt  }
0x70: {  	_ =	shalt  }
0x71: {  	_ =	shalt  }
0x72: {  	_ =	shalt  }
0x73: {  	_ =	shalt  }
0x74: {  	_ =	shalt  }
0x75: {  	_ =	shalt  }
0x76: {  	_ =	shalt  }
0x77: {  	_ =	shalt  }
0x78: {  	_ =	shalt  }
0x79: {  	_ =	shalt  }
0x7a: {  	_ =	shalt  }
0x7b: {  	_ =	shalt  }
0x7c: {  	_ =	shalt  }
0x7d: {  	_ =	shalt  }
0x7e: {  	_ =	shalt  }
0x7f: {  	_ =	shalt  }
0x80: {  	_ =	shalt  }
0x81: {  	_ =	shalt  }
0x82: {  	_ =	shalt  }
0x83: {  	_ =	shalt  }
0x84: {  	_ =	shalt  }
0x85: {  	_ =	shalt  }
0x86: {  	_ =	shalt  }
0x87: {  	_ =	shalt  }
.Lfunc_end0:
.L_simem_size_0:
called_computation_lowered:
.L_overlay_start_0:
0x88: {  	s2 =	sld [smem:$0x3FD9]  }
0x89: {  	s3 =	sld [smem:$0x3FFE];
	_ =	sdelay $0x1  }
0x8a: {  	s1 =	srdreg.scid  }
0x8b: {  	s0 =	sand.u32 $0x1, s1  }
0x8c: {  	s18 =	sshll.u32 s0, $0xA;
	s2 =	sadd.s32 s3, s2  }
0x8d: {  	s2 =	sadd.s32 s2, s18  }
0x8e: {  	[smem:$0x3FC6] =	sst s2  }
0x8f: {  	_ = 	snop  }
0x90: {  	s2 =	sld [smem:$0x3FC9]  }
0x91: {  	s19 =	sld [smem:$0x3FC8]  }
0x92: {  	s4 =	sld [smem:$0x3FD0];
	(tm) =	ssettm $0x1  }
0x93: {  	s5 =	sld [smem:$0x3FFB];
	_ =	sdelay $0x3  }
0x94: {  	_ =	strace s5  }
0x95: {  	s5 =	sld [smem:$0x3FFC];
	_ =	sdelay $0x3  }
0x96: {  	_ =	strace s5  }
0x97: {  	s5 =	sld [smem:$0x3FFD];
	_ =	sdelay $0x3  }
0x98: {  	_ =	strace s5  }
0x99: {  	_ =	strace $0x8FFFFFFF  }
0x9a: {  	s20 =	sld [smem:$0x3FDB];
	_ =	sdelay $0x1  }
0x9b: {  	s6 =	simm.s32 $_scs_section_size  }
0x9c: {  	s7 =	simm.s32 $_size__tile_overlayer_lowered;
	s8 =	simm.s32 $_tile_overlayer_lowered  }
0x9d: {  	s23 =	simm.s32 $0x1BFF;
	s22 =	sshll.u32 s8, $0x1;
	s5 =	sadd.s32 s6, s20  }
0x9e: {  	s9 =	simm.s32 $0x0;
	s21 =	sshll.u32 s7, $0x1;
	s7 =	sadd.s32 s22, s5  }
0x9f: {  	[timem:s9], [sflag:s23] =	dma.local [hbm:s7], s21  }
0xa0: {  	_ =	swait.ge [sflag:s23], s21  }
0xa1: {  	s6 =	ssub.s32 $0x0, s21;
	[sflag:s23] =	ssyncset.done $0x0  }
0xa2: {  	[sflag:s23] =	ssyncadd.s32 s6;
	_ =	sdelay $0x1  }
0xa3: {  	s24 =	simm.s32 $0x1B8B  }
0xa4: {  	_ =	swait.ge [sflag:s24], $0x1  }
0xa5: {  	[sflag:s24] =	ssyncset.done $0x0  }
0xa6: {  	s25 =	simm.s32 $0x1B8E;
	[sflag:s24] =	ssyncadd.s32 $0xFFFFFFFF  }
0xa7: {  	s26 =	simm.s32 $execute0_lowered;
	[smem:$0x3FD2] =	sst s25  }
0xa8: {  	s6 =	sshll.u32 s26, $0x1;
	_ =	strace $0x80000046;
	[dreg:$0x1] =	wrdreg $0xFFFFFFFF  }
0xa9: {  	s28 =	simm.s32 $_size_execute0_lowered;
	s5 =	sadd.s32 s5, s6;
	[dreg:$0x0] =	wrdreg $0x0  }
0xaa: {  	s6 =	sshll.u32 s28, $0x1;
	[dreg:$0x2] =	wrdreg s5  }
0xab: {  	[dreg:$0x3] =	wrdreg s6  }
0xac: {  	[dreg:$0x4] =	wrdreg $0xC0  }
0xad: {  	_ =	task [dreg:s9], $0x5FFFF  }
0xae: {  	[dreg:$0x1] =	wrdreg $0xFFFFFFFF  }
0xaf: {  	[dreg:$0x0] =	wrdreg $0x60  }
0xb0: {  	[dreg:$0x2] =	wrdreg s2  }
0xb1: {  	[dreg:$0x3] =	wrdreg s19  }
0xb2: {  	[dreg:$0x4] =	wrdreg s4  }
0xb3: {  	[dreg:$0x5] =	wrdreg $0x9  }
0xb4: {  	_ =	task.clear_ibuf [dreg:s9], $0x6FFFF;
	_ =	strace $0x90000046  }
0xb5: {  	s29 =	simm.s32 $0x9;
	_ =	strace $0x80000048  }
0xb6: {  	_ =	swait.ge [sflag:s29], $0x1  }
0xb7: {  	[sflag:s29] =	ssyncadd.s32 $0xFFFFFFFF  }
0xb8: {  	_ =	strace $0x90000048  }
0xb9: {  	_ =	sfence  }
0xba: {  	s30 =	sld [smem:$0x0];
	_ =	sdelay $0x2  }
0xbb: {  	s31 =	sshll.u32 s1, $0xD;
	s1 =	sshrl.u32 s1, $0x2  }
0xbc: {  	s3 =	sand.u32 $0x4000, s31;
	s1 =	sadd.s32 s1, s30  }
0xbd: {  	s0 =	sor.u32 s3, s0;
	s1 =	sshll.u32 s1, $0x11  }
0xbe: {  	s0 =	sor.u32 s1, s0  }
0xbf: {  	s0 =	sadd.s32 $0x8F2B, s0  }
0xc0: {  	[sflag:s0] =	ssyncadd.remote.s32 $0x1  }
0xc1: {  	_ =	sfence.sel $0xFFFF  }
0xc2: {  	[dreg:$0x0] =	wrdreg $0xFFFFFFFF;
	(pc) =	sbr.abs _section_cstart, $3  }
0xc3: {  	[dreg:$0x1] =	wrdreg $0xFFFFFFFF  }
0xc4: {  	_ =	task.clear_ibuf [dreg:s9], $0x2FFFF;
	_ =	strace $0x9FFFFFFF  }
0xc5: {  	(tm) =	ssettm $0x7FFFFFFF  }
tec
execute0_lowered:
.L_overlay_start_1:
0x0: {  	(tag) =	ssettag $0x1  }
0x1: {  	s0 =	rddreg [dreg:$0x0]  }
0x2: {  	s1 =	rddreg [dreg:$0x1]  }
0x3: {  	s3 =	rddreg [dreg:$0x2];
	s2 =	srdreg.scid  }
0x4: {  	s4 =	simm.s32 $0x0;
	s6 =	stileid.u32;
	s14 =	simm.s32 $0x1  }
0x5: {  	s15 =	simm.s32 $0x80;
	s17 =	simm.s32 $0x3000;
	s28 =	simm.s32 $0x2  }
0x6: {  	s16 =	simm.s32 $0x3F00;
	s18 =	simm.s32 $0x2F80;
	s19 =	simm.s32 $0x3F80  }
0x7: {  	s20 =	simm.s32 $0x3;
	s2 =	sand.u32 $0x1, s2;
	s6 =	sshll.u32 s6, $0x1  }
0x8: {  	[smem:$0x7FF] =	sst s4;
	s5 =	ssub.s32 $0x2, s2;
	s2 =	sor.u32 s2, s6  }
0x9: {  	s8 =	sadd.s32 $0x200, s0;
	_ =	strace $0x80000047;
	s6 =	sshll.u32 s2, $0xF  }
0xa: {  	s7 =	sshrl.u32 s5, $0x1;
	s29 =	sshll.u32 s2, $0xE;
	s10 =	sadd.s32 s0, s6  }
0xb: {  	s0 =	sadd.s32 s29, s3;
	[dreg:$0x4] =	wrdreg s10;
	s30 =	sadd.s32 $0x400, s10  }
0xc: {  	s7 =	ssub.s32 s5, s7;
	s0 =	sadd.s32 $0x3F00, s0;
	[dreg:$0x5] =	wrdreg s30  }
0xd: {  	s5 =	sshll.u32 s2, $0x11;
	s31 =	smax.u32 s7, $0x1;
	[dreg:$0x6] =	wrdreg s0  }
0xe: {  	s9 =	sadd.s32 $0xFFFFF800, s5;
	s7 =	simm.s32 $0x0;
	[dreg:$0x7] =	wrdreg s31  }
.LBB2_1:
0xf: {  	[dreg:$0x8] =	wrdreg s7  }
0x10: {  	s0 =	rddreg [dreg:$0x4];
	s21 =	simm.s32 $0x0  }
0x11: {  	[tilespmem:s4], [sflag:$0x1] =	stream.linear.gather [hbm4b:s0+s4], $0x1000, $0x38;
	[tilespmem:$0x4000] =	vst v63  }
.LBB2_2:
0x12: {  	s22 =	sshll.u32 s21, $0xA;
	s23 =	simm.s32 $0x0  }
0x13: {  	s2 =	simm.s32 $0x1000;
	s24 =	simm.s32 $0x30;
	s0 =	sor.u32 s22, s6  }
0x14: {  	s29 =	simm.s32 $0x0;
	s7 =	sand.u32 $0x7, s23;
	s0 =	sadd.s32 s0, s8  }
0x15: {  	[tilespmem:s2], [sflag:$0x2] =	stream.linear.gather [hbm4b:s0+s23], $0x1000, $0x38;
	[tilespmem:$0x4000] =	vst v63  }
0x16: {  	s25 =	sand.u32 $0xF00, s23;
	s26 =	sand.u32 $0x70, s24;
	_ =	swait.ge [sflag:s14], $0x1000  }
0x17: {  	s29 =	sand.u32 $0x40, s29;
	s0 =	sshll.u32 s7, $0x4;
	[sflag:s14] =	ssyncset.done $0x0  }
0x18: {  	s26 =	sor.u32 s26, s25;
	s0 =	sadd.s32 $0x0, s0;
	[sflag:s14] =	ssyncadd.s32 $0xFFFFF000  }
0x19: {  	s11 =	simm.s32 $0x20;
	s29 =	sor.u32 s29, s25;
	s10 =	sadd.s32 $0x30, s0;
	v0 =	vld [tilespmem:s26+$0x0]  }
0x1a: {  	s2 =	sand.u32 $0x60, s11;
	s26 =	sor.u32 $0x80, s10;
	v2 =	vld [tilespmem:s29+$0x0]  }
0x1b: {  	s31 =	simm.s32 $0x10;
	s2 =	sor.u32 s2, s25;
	s0 =	sadd.s32 $0x10, s0;
	v1 =	vld [tilespmem:s26+$0x0]  }
0x1c: {  	s31 =	sand.u32 $0x50, s31;
	s0 =	sor.u32 $0x80, s0;
	v4 =	vld [tilespmem:s2+$0x0]  }
0x1d: {  	s29 =	sor.u32 s31, s25;
	v5 =	vld [tilespmem:s0+$0x0]  }
0x1e: {  	p0 =	por $0x0, $0x0;
	s12 =	sand.u32 $0x3, s23;
	s31 =	simm.s32 $0x1;
	v3 =	vld [tilespmem:s29+$0x0];
	v0 =	vadd.f32 v0, v0  }
0x1f: {  	s26 =	sshll.u32 s12, $0x5;
	s31 =	simm.s32 @!p0 $0x0  }
0x20: {  	s13 =	sadd.s32 $0x0, s26;
	s26 =	sshll.u32 s31, $0x6;
	v1 =	vadd.f32 v1, v1;
	v0 =	vadd.f32 $-1.000000000e+00, v0  }
0x21: {  	s2 =	sadd.s32 $0x0, s26;
	v2 =	vadd.f32 v2, v2;
	v4 =	vadd.f32 v4, v4  }
0x22: {  	s25 =	sadd.s32 $0x20, s13;
	s30 =	sor.u32 $0x80, s2;
	v1 =	vadd.f32 $-1.000000000e+00, v1;
	v0 =	vadd.f32 $1.000000000e+00, v0  }
0x23: {  	s25 =	sor.u32 $0x80, s25;
	v7 =	vld [tilespmem:s30+$0x0];
	v5 =	vadd.f32 v5, v5;
	v3 =	vadd.f32 v3, v3  }
0x24: {  	v6 =	vld [tilespmem:s25+$0x0];
	v2 =	vadd.f32 $-1.000000000e+00, v2;
	v1 =	vadd.f32 $1.000000000e+00, v1;
	v0 =	vmul.f32 $5.000000000e-01, v0  }
0x25: {  	v4 =	vadd.f32 $-1.000000000e+00, v4;
	v5 =	vadd.f32 $-1.000000000e+00, v5  }
0x26: {  	v3 =	vadd.f32 $-1.000000000e+00, v3;
	v1 =	vmul.f32 $5.000000000e-01, v1;
	v0 =	vmul.f32 $4.095000000e+03, v0  }
0x27: {  	v2 =	vadd.f32 $1.000000000e+00, v2;
	v4 =	vadd.f32 $1.000000000e+00, v4  }
0x28: {  	v7 =	vadd.f32 v7, v7;
	v1 =	vmul.f32 $4.095000000e+03, v1;
	v0 =	vadd.f32 $1.258291200e+07, v0  }
0x29: {  	v6 =	vadd.f32 v6, v6;
	v3 =	vadd.f32 $1.000000000e+00, v3;
	v2 =	vmul.f32 $5.000000000e-01, v2  }
0x2a: {  	v4 =	vmul.f32 $5.000000000e-01, v4;
	v1 =	vadd.f32 $1.258291200e+07, v1;
	v0 =	vadd.f32 $-1.258291200e+07, v0  }
0x2b: {  	v3 =	vmul.f32 $5.000000000e-01, v3;
	v7 =	vadd.f32 $-1.000000000e+00, v7;
	v6 =	vadd.f32 $-1.000000000e+00, v6  }
0x2c: {  	v2 =	vmul.f32 $4.095000000e+03, v2;
	v1 =	vadd.f32 $-1.258291200e+07, v1;
	v0 =	vtrunc.f32 v0  }
0x2d: {  	v5 =	vadd.f32 $1.000000000e+00, v5;
	v4 =	vmul.f32 $4.095000000e+03, v4;
	v0 =	vcvt.f32.s32 v0  }
0x2e: {  	v7 =	vadd.f32 $1.000000000e+00, v7;
	v6 =	vadd.f32 $1.000000000e+00, v6;
	v1 =	vtrunc.f32 v1  }
0x2f: {  	v1 =	vcvt.f32.s32 v1;
	v8 =	vshll.u32 v0, $0xC;
	v0 =	vshll.u32 v0, $0x7  }
0x30: {  	v3 =	vmul.f32 $4.095000000e+03, v3;
	v8 =	vand.u32 $0xFFFF8000, v8;
	v0 =	vand.u32 $0x380, v0  }
0x31: {  	v9 =	vshll.u32 v1, $0x3;
	v1 =	vand.u32 $0x7F, v1;
	v0 =	vor.u32 v8, v0  }
0x32: {  	v63 =	vand.u32 $0xFFFFFC00, v9;
	v0 =	vor.u32 v1, v0;
	v1 =	vmul.f32 $5.000000000e-01, v5  }
0x33: {  	v8 =	vor.u32 v63, v0;
	v0 =	vadd.f32 $1.258291200e+07, v2;
	v2 =	vmul.f32 $5.000000000e-01, v6  }
0x34: {  	v3 =	vadd.f32 $1.258291200e+07, v3;
	v5 =	vmul.f32 $5.000000000e-01, v7;
	v1 =	vmul.f32 $4.095000000e+03, v1  }
0x35: {  	v4 =	vadd.f32 $1.258291200e+07, v4;
	v6 =	vadd.f32 $-1.258291200e+07, v0;
	v7 =	vmul.f32 $4.095000000e+03, v2  }
0x36: {  	p0 =	por !p0, !p0;
	s25 =	simm.s32 $0x2020;
	v0 =	vmul.f32 $4.095000000e+03, v5;
	v2 =	vadd.f32 $-1.258291200e+07, v3;
	v5 =	vadd.f32 $1.258291200e+07, v1  }
0x37: {  	s29 =	simm.s32 $0x2;
	s31 =	simm.s32 $0x0;
	s26 =	simm.s32 $0x0;
	[tilespmem:s25+$0x10] =	vst v8;
	v1 =	vadd.f32 $-1.258291200e+07, v4;
	v3 =	vtrunc.f32 v6;
	v4 =	vadd.f32 $1.258291200e+07, v7  }
.LBB2_3:
0x38: {  	s0 =	simm.s32 $0x1  }
0x39: {  	s2 =	sand.u32 $0x3, s29;
	v0 =	vadd.f32 $1.258291200e+07, v0;
	v5 =	vadd.f32 $-1.258291200e+07, v5;
	v2 =	vtrunc.f32 v2;
	s0 =	simm.s32 @!p0 $0x0  }
0x3a: {  	v3 =	vcvt.f32.s32 v3;
	s2 =	sshll.u32 s2, $0x5;
	v4 =	vadd.f32 $-1.258291200e+07, v4;
	v1 =	vtrunc.f32 v1;
	s0 =	sshll.u32 s0, $0x6  }
0x3b: {  	s23 =	sadd.s32 $0x80, s23;
	s24 =	sadd.s32 $0x40, s24;
	s31 =	sadd.s32 $0x4, s31;
	v2 =	vcvt.f32.s32 v2;
	v0 =	vadd.f32 $-1.258291200e+07, v0;
	v1 =	vcvt.f32.s32 v1  }
0x3c: {  	s26 =	sadd.s32 $0x4, s26;
	s11 =	sand.u32 $0x7, s31;
	s12 =	sand.u32 $0xF00, s23;
	v6 =	vshll.u32 v3, $0xC;
	v5 =	vtrunc.f32 v5;
	v4 =	vtrunc.f32 v4  }
0x3d: {  	s7 =	sand.u32 $0x70, s24;
	p1 =	slt.u32 s26, $0x7C;
	s11 =	sshll.u32 s11, $0x4;
	v3 =	vshll.u32 v3, $0x7;
	v5 =	vcvt.f32.s32 v5;
	v0 =	vtrunc.f32 v0  }
0x3e: {  	s10 =	sadd.s32 $0xFFFFFFD0, s24;
	s7 =	sor.u32 s7, s12;
	s11 =	sadd.s32 s11, s23;
	v7 =	vshll.u32 v2, $0xC;
	v2 =	vshll.u32 v2, $0x7;
	v4 =	vcvt.f32.s32 v4  }
0x3f: {  	s13 =	sadd.s32 $0xFFFFFFE0, s24;
	s30 =	sadd.s32 $0xFFFFFFF0, s24;
	v9 =	vshll.u32 v1, $0xC;
	v1 =	vshll.u32 v1, $0x7;
	v0 =	vcvt.f32.s32 v0;
	v8 =	vld [tilespmem:s7+$0x0];
	s7 =	sadd.s32 $0x30, s11  }
0x40: {  	s10 =	sand.u32 $0x40, s10;
	s13 =	sand.u32 $0x50, s13;
	v6 =	vand.u32 $0xFFFF8000, v6;
	v3 =	vand.u32 $0x380, v3;
	v7 =	vand.u32 $0xFFFF8000, v7;
	s7 =	sor.u32 $0x80, s7  }
0x41: {  	s2 =	sadd.s32 s23, s2;
	s30 =	sand.u32 $0x60, s30;
	s10 =	sor.u32 s10, s12;
	v2 =	vand.u32 $0x380, v2;
	v9 =	vand.u32 $0xFFFF8000, v9;
	v1 =	vand.u32 $0x380, v1;
	v10 =	vld [tilespmem:s7+$0x0]  }
0x42: {  	v3 =	vor.u32 v6, v3;
	v6 =	vshll.u32 v5, $0x3;
	v5 =	vand.u32 $0x7F, v5;
	s7 =	sor.u32 s13, s12;
	v11 =	vld [tilespmem:s10+$0x0];
	s10 =	sadd.s32 $0x10, s11;
	s11 =	sor.u32 s30, s12  }
0x43: {  	s0 =	sadd.s32 s0, s23;
	s2 =	sadd.s32 $0x20, s2;
	v2 =	vor.u32 v7, v2;
	v7 =	vshll.u32 v4, $0x3;
	v4 =	vand.u32 $0x7F, v4;
	v12 =	vld [tilespmem:s7+$0x0];
	s7 =	sor.u32 $0x80, s10  }
0x44: {  	s0 =	sor.u32 $0x80, s0;
	s2 =	sor.u32 $0x80, s2;
	v1 =	vor.u32 v9, v1;
	v14 =	vshll.u32 v0, $0x3;
	v13 =	vld [tilespmem:s11+$0x0];
	v8 =	vadd.f32 v8, v8  }
0x45: {  	v6 =	vand.u32 $0xFFFFFC00, v6;
	v2 =	vor.u32 v5, v2;
	v0 =	vand.u32 $0x7F, v0;
	v9 =	vld [tilespmem:s7+$0x0]  }
0x46: {  	v0 =	vor.u32 v0, v3;
	v5 =	vld [tilespmem:s2+$0x0];
	v8 =	vadd.f32 $-1.000000000e+00, v8;
	v10 =	vadd.f32 v10, v10  }
0x47: {  	v7 =	vand.u32 $0xFFFFFC00, v7;
	v1 =	vor.u32 v4, v1;
	v3 =	vld [tilespmem:s0+$0x0];
	v11 =	vadd.f32 v11, v11  }
0x48: {  	v4 =	vadd.f32 $1.000000000e+00, v8;
	v8 =	vadd.f32 $-1.000000000e+00, v10;
	v10 =	vand.u32 $0xFFFFFC00, v14  }
0x49: {  	v12 =	vadd.f32 v12, v12;
	v13 =	vadd.f32 v13, v13;
	v0 =	vor.u32 v10, v0  }
0x4a: {  	v10 =	vadd.f32 $-1.000000000e+00, v11;
	v4 =	vmul.f32 $5.000000000e-01, v4;
	v8 =	vadd.f32 $1.000000000e+00, v8;
	[tilespmem:s25+$0xFFFFFFE0] =	vst v0  }
0x4b: {  	v2 =	vor.u32 v6, v2;
	v0 =	vadd.f32 $-1.000000000e+00, v12;
	v9 =	vadd.f32 v9, v9  }
0x4c: {  	v6 =	vadd.f32 $-1.000000000e+00, v13;
	v4 =	vmul.f32 $4.095000000e+03, v4;
	v8 =	vmul.f32 $5.000000000e-01, v8;
	[tilespmem:s25+$0xFFFFFFF0] =	vst v2  }
0x4d: {  	v1 =	vor.u32 v7, v1;
	v2 =	vadd.f32 v3, v3;
	v3 =	vadd.f32 v5, v5  }
0x4e: {  	v5 =	vadd.f32 $1.000000000e+00, v10;
	v7 =	vmul.f32 $4.095000000e+03, v8;
	v4 =	vadd.f32 $1.258291200e+07, v4;
	[tilespmem:s25+$0x0] =	vst v1  }
0x4f: {  	v0 =	vadd.f32 $1.000000000e+00, v0;
	v1 =	vadd.f32 $-1.000000000e+00, v9  }
0x50: {  	v5 =	vmul.f32 $5.000000000e-01, v5;
	v4 =	vadd.f32 $-1.258291200e+07, v4;
	v7 =	vadd.f32 $1.258291200e+07, v7  }
0x51: {  	v6 =	vadd.f32 $1.000000000e+00, v6;
	v0 =	vmul.f32 $5.000000000e-01, v0;
	v3 =	vadd.f32 $-1.000000000e+00, v3  }
0x52: {  	v2 =	vadd.f32 $-1.000000000e+00, v2;
	v7 =	vadd.f32 $-1.258291200e+07, v7;
	v4 =	vtrunc.f32 v4  }
0x53: {  	v6 =	vmul.f32 $5.000000000e-01, v6;
	v1 =	vadd.f32 $1.000000000e+00, v1;
	v4 =	vcvt.f32.s32 v4  }
0x54: {  	v2 =	vadd.f32 $1.000000000e+00, v2;
	v3 =	vadd.f32 $1.000000000e+00, v3;
	v7 =	vtrunc.f32 v7  }
0x55: {  	v7 =	vcvt.f32.s32 v7;
	v8 =	vshll.u32 v4, $0xC;
	v4 =	vshll.u32 v4, $0x7  }
0x56: {  	v5 =	vmul.f32 $4.095000000e+03, v5;
	v8 =	vand.u32 $0xFFFF8000, v8;
	v4 =	vand.u32 $0x380, v4  }
0x57: {  	v9 =	vshll.u32 v7, $0x3;
	v7 =	vand.u32 $0x7F, v7;
	v4 =	vor.u32 v8, v4  }
0x58: {  	v0 =	vmul.f32 $4.095000000e+03, v0;
	v8 =	vand.u32 $0xFFFFFC00, v9;
	v4 =	vor.u32 v7, v4  }
0x59: {  	s25 =	sadd.s32 $0x40, s25;
	v6 =	vmul.f32 $4.095000000e+03, v6;
	v1 =	vmul.f32 $5.000000000e-01, v1;
	v4 =	vor.u32 v8, v4  }
.Ltmp0:
0x5a: {  	v2 =	vmul.f32 $5.000000000e-01, v2;
	v5 =	vadd.f32 $1.258291200e+07, v5;
	v3 =	vmul.f32 $5.000000000e-01, v3;
	[tilespmem:s25+$0x10] =	vst v4;
	(pc) =	sbr.rel @p1 .LBB2_3-.Ltmp0, $4  }
0x5b: {  	v6 =	vadd.f32 $1.258291200e+07, v6;
	v1 =	vmul.f32 $4.095000000e+03, v1;
	v4 =	vadd.f32 $1.258291200e+07, v0  }
0x5c: {  	v7 =	vadd.f32 $-1.258291200e+07, v5;
	v8 =	vmul.f32 $4.095000000e+03, v3;
	v0 =	vmul.f32 $4.095000000e+03, v2  }
0x5d: {  	v5 =	vadd.f32 $1.258291200e+07, v1;
	v2 =	vadd.f32 $-1.258291200e+07, v4  }
0x5e: {  	s29 =	sadd.s32 $0x2, s29;
	p0 =	por !p0, !p0;
	v1 =	vadd.f32 $-1.258291200e+07, v6;
	v3 =	vtrunc.f32 v7;
	v4 =	vadd.f32 $1.258291200e+07, v8  }
0x5f: {  	v0 =	vadd.f32 $1.258291200e+07, v0;
	v5 =	vadd.f32 $-1.258291200e+07, v5  }
0x60: {  	v2 =	vtrunc.f32 v2;
	v3 =	vcvt.f32.s32 v3;
	v4 =	vadd.f32 $-1.258291200e+07, v4  }
0x61: {  	v1 =	vtrunc.f32 v1;
	v2 =	vcvt.f32.s32 v2;
	v0 =	vadd.f32 $-1.258291200e+07, v0  }
0x62: {  	v1 =	vcvt.f32.s32 v1;
	v6 =	vshll.u32 v3, $0xC;
	v5 =	vtrunc.f32 v5  }
0x63: {  	v3 =	vshll.u32 v3, $0x7;
	v4 =	vtrunc.f32 v4;
	v5 =	vcvt.f32.s32 v5  }
0x64: {  	v7 =	vshll.u32 v2, $0xC;
	v2 =	vshll.u32 v2, $0x7;
	v6 =	vand.u32 $0xFFFF8000, v6  }
0x65: {  	v3 =	vand.u32 $0x380, v3;
	v0 =	vtrunc.f32 v0;
	v4 =	vcvt.f32.s32 v4  }
0x66: {  	v8 =	vshll.u32 v1, $0xC;
	v1 =	vshll.u32 v1, $0x7;
	v7 =	vand.u32 $0xFFFF8000, v7  }
0x67: {  	v2 =	vand.u32 $0x380, v2;
	v3 =	vor.u32 v6, v3;
	v0 =	vcvt.f32.s32 v0  }
0x68: {  	v8 =	vand.u32 $0xFFFF8000, v8;
	v1 =	vand.u32 $0x380, v1;
	v6 =	vshll.u32 v5, $0x3  }
0x69: {  	v5 =	vand.u32 $0x7F, v5;
	v2 =	vor.u32 v7, v2;
	v7 =	vshll.u32 v4, $0x3  }
0x6a: {  	v4 =	vand.u32 $0x7F, v4;
	v9 =	vshll.u32 v0, $0x3;
	v0 =	vand.u32 $0x7F, v0  }
0x6b: {  	v1 =	vor.u32 v8, v1;
	v0 =	vor.u32 v0, v3;
	v3 =	vand.u32 $0xFFFFFC00, v9  }
0x6c: {  	v6 =	vand.u32 $0xFFFFFC00, v6;
	v2 =	vor.u32 v5, v2;
	v0 =	vor.u32 v3, v0  }
0x6d: {  	v1 =	vor.u32 v4, v1;
	v3 =	vand.u32 $0xFFFFFC00, v7;
	[tilespmem:s25+$0xFFFFFFE0] =	vst v0;
	v0 =	vor.u32 v6, v2  }
0x6e: {  	p0 =	seq.s32 s21, $0x0;
	[tilespmem:s25+$0xFFFFFFF0] =	vst v0;
	v0 =	vor.u32 v3, v1  }
0x6f: {  	s0 =	simm.s32 @!p0 $0x5;
	[tilespmem:s25+$0x0] =	vst v0  }
0x70: {  	_ =	swait.ge @!p0 [sflag:s0], $0x800  }
0x71: {  	[sflag:s0] =	ssyncset.done @!p0 $0x0  }
0x72: {  	s25 =	simm.s32 $0x2000;
	[sflag:s0] =	ssyncadd.s32 @!p0 $0xFFFFF800  }
0x73: {  	[tilespmem:s17], [sflag:$0x3] =	stream.indirect.gather [hbm4b:s1+s15], $0x1, s25, s15, $0xb8;
	[tilespmem:$0x4000] =	vst v63  }
0x74: {  	s26 =	simm.s32 $0x2080;
	s2 =	simm.s32 $0x3080  }
0x75: {  	[tilespmem:s2], [sflag:$0x3] =	stream.indirect.gather [hbm4b:s1+s15], $0x1, s26, s15, $0xb8;
	[tilespmem:$0x4000] =	vst v63  }
0x76: {  	s30 =	simm.s32 $0x2100;
	s31 =	simm.s32 $0x3100  }
0x77: {  	[tilespmem:s31], [sflag:$0x3] =	stream.indirect.gather [hbm4b:s1+s15], $0x1, s30, s15, $0xb8;
	[tilespmem:$0x4000] =	vst v63  }
0x78: {  	s7 =	simm.s32 $0x3180;
	s2 =	simm.s32 $0x2180  }
0x79: {  	[tilespmem:s7], [sflag:$0x3] =	stream.indirect.gather [hbm4b:s1+s15], $0x1, s2, s15, $0xb8;
	[tilespmem:$0x4000] =	vst v63  }
0x7a: {  	s10 =	simm.s32 $0x2200;
	s11 =	simm.s32 $0x3200  }
0x7b: {  	[tilespmem:s11], [sflag:$0x3] =	stream.indirect.gather [hbm4b:s1+s15], $0x1, s10, s15, $0xb8;
	[tilespmem:$0x4000] =	vst v63  }
0x7c: {  	s12 =	simm.s32 $0x2280;
	s13 =	simm.s32 $0x3280  }
0x7d: {  	[tilespmem:s13], [sflag:$0x3] =	stream.indirect.gather [hbm4b:s1+s15], $0x1, s12, s15, $0xb8;
	[tilespmem:$0x4000] =	vst v63  }
0x7e: {  	s23 =	simm.s32 $0x2300;
	s24 =	simm.s32 $0x3300  }
0x7f: {  	[tilespmem:s24], [sflag:$0x3] =	stream.indirect.gather [hbm4b:s1+s15], $0x1, s23, s15, $0xb8;
	[tilespmem:$0x4000] =	vst v63  }
0x80: {  	s25 =	simm.s32 $0x2380;
	s26 =	simm.s32 $0x3380  }
0x81: {  	[tilespmem:s26], [sflag:$0x3] =	stream.indirect.gather [hbm4b:s1+s15], $0x1, s25, s15, $0xb8;
	[tilespmem:$0x4000] =	vst v63  }
0x82: {  	s30 =	simm.s32 $0x2400;
	s31 =	simm.s32 $0x3400  }
0x83: {  	[tilespmem:s31], [sflag:$0x3] =	stream.indirect.gather [hbm4b:s1+s15], $0x1, s30, s15, $0xb8;
	[tilespmem:$0x4000] =	vst v63  }
0x84: {  	s2 =	simm.s32 $0x2480;
	s7 =	simm.s32 $0x3480  }
0x85: {  	[tilespmem:s7], [sflag:$0x3] =	stream.indirect.gather [hbm4b:s1+s15], $0x1, s2, s15, $0xb8;
	[tilespmem:$0x4000] =	vst v63  }
0x86: {  	s10 =	simm.s32 $0x2500;
	s11 =	simm.s32 $0x3500  }
0x87: {  	[tilespmem:s11], [sflag:$0x3] =	stream.indirect.gather [hbm4b:s1+s15], $0x1, s10, s15, $0xb8;
	[tilespmem:$0x4000] =	vst v63  }
0x88: {  	s12 =	simm.s32 $0x2580;
	s13 =	simm.s32 $0x3580  }
0x89: {  	[tilespmem:s13], [sflag:$0x3] =	stream.indirect.gather [hbm4b:s1+s15], $0x1, s12, s15, $0xb8;
	[tilespmem:$0x4000] =	vst v63  }
0x8a: {  	s23 =	simm.s32 $0x2600;
	s24 =	simm.s32 $0x3600  }
0x8b: {  	[tilespmem:s24], [sflag:$0x3] =	stream.indirect.gather [hbm4b:s1+s15], $0x1, s23, s15, $0xb8;
	[tilespmem:$0x4000] =	vst v63  }
0x8c: {  	s25 =	simm.s32 $0x2680;
	s26 =	simm.s32 $0x3680  }
0x8d: {  	[tilespmem:s26], [sflag:$0x3] =	stream.indirect.gather [hbm4b:s1+s15], $0x1, s25, s15, $0xb8;
	[tilespmem:$0x4000] =	vst v63  }
0x8e: {  	s30 =	simm.s32 $0x2700;
	s31 =	simm.s32 $0x3700  }
0x8f: {  	[tilespmem:s31], [sflag:$0x3] =	stream.indirect.gather [hbm4b:s1+s15], $0x1, s30, s15, $0xb8;
	[tilespmem:$0x4000] =	vst v63  }
0x90: {  	s0 =	simm.s32 @!p0 $0x4;
	s7 =	simm.s32 $0x2780;
	s10 =	simm.s32 $0x3780  }
0x91: {  	[tilespmem:s10], [sflag:$0x3] =	stream.indirect.gather [hbm4b:s1+s15], $0x1, s7, s15, $0xb8;
	[tilespmem:$0x4000] =	vst v63  }
0x92: {  	p1 =	seq.s32 @!p0 s21, $0x1F;
	s2 =	sshll.u32 @!p0 s21, $0xC;
	_ =	swait.ge @!p0 [sflag:s0], $0x800  }
0x93: {  	p1 =	por p0, !p1;
	s2 =	sadd.s32 @!p0 s2, s9;
	[sflag:s0] =	ssyncset.done @!p0 $0x0  }
0x94: {  	s23 =	simm.s32 $0x30;
	[sflag:s0] =	ssyncadd.s32 @!p0 $0xFFFFF800;
	s0 =	sshrl.u32 @!p0 s2, $0x3  }
0x95: {  	s7 =	simm.s32 @!p0 $0x3800;
	s2 =	simm.s32 @!p0 $0x0;
	s0 =	sadd.s32 @!p0 s3, s0  }
0x96: {  	[hbm4b:s0+s2] =	stream.linear.scatter @!p0 [tilespmem:s7], [sflag:$0x6], $0x800, $0x38;
	[tilespmem:$0x4000] =	vst v63  }
0x97: {  	s13 =	sand.u32 $0x70, s23;
	s10 =	simm.s32 $0x0;
	s0 =	rddreg @p1 [dreg:$0x5]  }
0x98: {  	s10 =	sand.u32 $0x40, s10;
	s0 =	sadd.s32 @p1 s22, s0;
	s22 =	simm.s32 $0x0  }
0x99: {  	[tilespmem:s4], [sflag:$0x1] =	stream.linear.gather @p1 [hbm4b:s0+s4], $0x1000, $0x38;
	[tilespmem:$0x4000] =	vst v63  }
0x9a: {  	s11 =	sand.u32 $0x7, s22;
	s12 =	sand.u32 $0xF00, s22;
	_ =	swait.ge [sflag:s28], $0x1000  }
0x9b: {  	s0 =	sshll.u32 s11, $0x4;
	s2 =	sor.u32 $0x1000, s12;
	[sflag:s28] =	ssyncset.done $0x0  }
0x9c: {  	s11 =	simm.s32 $0x10;
	s7 =	sor.u32 s13, s2;
	[sflag:s28] =	ssyncadd.s32 $0xFFFFF000  }
0x9d: {  	s0 =	sadd.s32 $0x0, s0;
	s11 =	sand.u32 $0x50, s11;
	s10 =	sor.u32 s10, s2;
	v0 =	vld [tilespmem:s7+$0x0]  }
0x9e: {  	s12 =	simm.s32 $0x20;
	s24 =	sadd.s32 $0x30, s0;
	s26 =	sor.u32 s11, s2;
	v2 =	vld [tilespmem:s10+$0x0]  }
0x9f: {  	s12 =	sand.u32 $0x60, s12;
	s7 =	sor.u32 $0x80, s24;
	v3 =	vld [tilespmem:s26+$0x0]  }
0xa0: {  	s2 =	sor.u32 s12, s2;
	v1 =	vld [tilespmem:s7+$0x1000]  }
0xa1: {  	p1 =	por $0x0, $0x0;
	s11 =	simm.s32 $0x1;
	s0 =	sadd.s32 $0x10, s0;
	v4 =	vld [tilespmem:s2+$0x0]  }
0xa2: {  	s11 =	simm.s32 @!p1 $0x0;
	s0 =	sor.u32 $0x80, s0  }
0xa3: {  	s30 =	sshll.u32 s11, $0x6;
	v5 =	vld [tilespmem:s0+$0x1000];
	v0 =	vadd.f32 v0, v0  }
0xa4: {  	s25 =	sand.u32 $0x3, s22;
	s2 =	sadd.s32 $0x0, s30;
	v2 =	vadd.f32 v2, v2  }
0xa5: {  	s7 =	sshll.u32 s25, $0x5;
	s31 =	sor.u32 $0x80, s2;
	v1 =	vadd.f32 v1, v1;
	v0 =	vadd.f32 $-1.000000000e+00, v0  }
0xa6: {  	s7 =	sadd.s32 $0x0, s7;
	v7 =	vld [tilespmem:s31+$0x1000];
	v3 =	vadd.f32 v3, v3;
	v4 =	vadd.f32 v4, v4  }
0xa7: {  	s7 =	sadd.s32 $0x20, s7;
	v1 =	vadd.f32 $-1.000000000e+00, v1;
	v0 =	vadd.f32 $1.000000000e+00, v0  }
0xa8: {  	s7 =	sor.u32 $0x80, s7;
	v5 =	vadd.f32 v5, v5;
	v2 =	vadd.f32 $-1.000000000e+00, v2  }
0xa9: {  	v6 =	vld [tilespmem:s7+$0x1000];
	v3 =	vadd.f32 $-1.000000000e+00, v3;
	v1 =	vadd.f32 $1.000000000e+00, v1;
	v0 =	vmul.f32 $5.000000000e-01, v0  }
0xaa: {  	v4 =	vadd.f32 $-1.000000000e+00, v4;
	v5 =	vadd.f32 $-1.000000000e+00, v5  }
0xab: {  	v7 =	vadd.f32 v7, v7;
	v1 =	vmul.f32 $5.000000000e-01, v1;
	v0 =	vmul.f32 $4.095000000e+03, v0  }
0xac: {  	v2 =	vadd.f32 $1.000000000e+00, v2;
	v3 =	vadd.f32 $1.000000000e+00, v3  }
0xad: {  	v4 =	vadd.f32 $1.000000000e+00, v4;
	v1 =	vmul.f32 $4.095000000e+03, v1;
	v0 =	vadd.f32 $1.258291200e+07, v0  }
0xae: {  	v6 =	vadd.f32 v6, v6;
	v5 =	vadd.f32 $1.000000000e+00, v5  }
0xaf: {  	v2 =	vmul.f32 $5.000000000e-01, v2;
	v1 =	vadd.f32 $1.258291200e+07, v1;
	v0 =	vadd.f32 $-1.258291200e+07, v0  }
0xb0: {  	v3 =	vmul.f32 $5.000000000e-01, v3;
	v7 =	vadd.f32 $-1.000000000e+00, v7;
	v4 =	vmul.f32 $5.000000000e-01, v4  }
0xb1: {  	v2 =	vmul.f32 $4.095000000e+03, v2;
	v1 =	vadd.f32 $-1.258291200e+07, v1;
	v0 =	vtrunc.f32 v0  }
0xb2: {  	v6 =	vadd.f32 $-1.000000000e+00, v6;
	v3 =	vmul.f32 $4.095000000e+03, v3;
	v0 =	vcvt.f32.s32 v0  }
0xb3: {  	v7 =	vadd.f32 $1.000000000e+00, v7;
	v4 =	vmul.f32 $4.095000000e+03, v4;
	v1 =	vtrunc.f32 v1  }
0xb4: {  	v1 =	vcvt.f32.s32 v1;
	v61 =	vshll.u32 v0, $0xC;
	v0 =	vshll.u32 v0, $0x7  }
0xb5: {  	v6 =	vadd.f32 $1.000000000e+00, v6;
	v8 =	vand.u32 $0xFFFF8000, v61;
	v0 =	vand.u32 $0x380, v0  }
0xb6: {  	v62 =	vshll.u32 v1, $0x3;
	v1 =	vand.u32 $0x7F, v1;
	v0 =	vor.u32 v8, v0  }
0xb7: {  	v63 =	vand.u32 $0xFFFFFC00, v62;
	v0 =	vor.u32 v1, v0;
	v1 =	vmul.f32 $5.000000000e-01, v5  }
0xb8: {  	v8 =	vor.u32 v63, v0;
	v0 =	vadd.f32 $1.258291200e+07, v2;
	v2 =	vmul.f32 $5.000000000e-01, v6  }
0xb9: {  	v3 =	vadd.f32 $1.258291200e+07, v3;
	v5 =	vmul.f32 $5.000000000e-01, v7;
	v1 =	vmul.f32 $4.095000000e+03, v1  }
0xba: {  	v4 =	vadd.f32 $1.258291200e+07, v4;
	v6 =	vadd.f32 $-1.258291200e+07, v0;
	v7 =	vmul.f32 $4.095000000e+03, v2  }
0xbb: {  	s29 =	simm.s32 $0x0;
	s24 =	simm.s32 $0x2820;
	v0 =	vmul.f32 $4.095000000e+03, v5;
	v2 =	vadd.f32 $-1.258291200e+07, v3;
	v5 =	vadd.f32 $1.258291200e+07, v1  }
0xbc: {  	p1 =	por !p1, !p1;
	s26 =	simm.s32 $0x2;
	s25 =	simm.s32 $0x0;
	[tilespmem:s24+$0x10] =	vst v8;
	v1 =	vadd.f32 $-1.258291200e+07, v4;
	v3 =	vtrunc.f32 v6;
	v4 =	vadd.f32 $1.258291200e+07, v7  }
.LBB2_5:
0xbd: {  	s0 =	simm.s32 $0x1  }
0xbe: {  	s2 =	sand.u32 $0x3, s26;
	v0 =	vadd.f32 $1.258291200e+07, v0;
	v5 =	vadd.f32 $-1.258291200e+07, v5;
	v2 =	vtrunc.f32 v2;
	s0 =	simm.s32 @!p1 $0x0  }
0xbf: {  	v3 =	vcvt.f32.s32 v3;
	s23 =	sadd.s32 $0x40, s23;
	v4 =	vadd.f32 $-1.258291200e+07, v4;
	v1 =	vtrunc.f32 v1;
	s31 =	sshll.u32 s0, $0x6;
	s0 =	sshll.u32 s2, $0x5  }
0xc0: {  	s22 =	sadd.s32 $0x80, s22;
	s29 =	sadd.s32 $0x4, s29;
	v2 =	vcvt.f32.s32 v2;
	s2 =	sand.u32 $0x70, s23;
	v0 =	vadd.f32 $-1.258291200e+07, v0;
	v1 =	vcvt.f32.s32 v1  }
0xc1: {  	s25 =	sadd.s32 $0x4, s25;
	s7 =	sand.u32 $0x7, s29;
	s10 =	sand.u32 $0xF00, s22;
	v6 =	vshll.u32 v3, $0xC;
	v5 =	vtrunc.f32 v5;
	v4 =	vtrunc.f32 v4  }
0xc2: {  	p2 =	slt.u32 s25, $0x7C;
	s7 =	sshll.u32 s7, $0x4;
	s10 =	sor.u32 $0x1000, s10;
	v3 =	vshll.u32 v3, $0x7;
	v5 =	vcvt.f32.s32 v5;
	v0 =	vtrunc.f32 v0  }
0xc3: {  	s11 =	sadd.s32 $0xFFFFFFD0, s23;
	s7 =	sadd.s32 s7, s22;
	s2 =	sor.u32 s2, s10;
	v7 =	vshll.u32 v2, $0xC;
	v2 =	vshll.u32 v2, $0x7;
	v4 =	vcvt.f32.s32 v4  }
0xc4: {  	s12 =	sadd.s32 $0xFFFFFFE0, s23;
	s13 =	sadd.s32 $0xFFFFFFF0, s23;
	v9 =	vshll.u32 v1, $0xC;
	v1 =	vshll.u32 v1, $0x7;
	v0 =	vcvt.f32.s32 v0;
	v8 =	vld [tilespmem:s2+$0x0];
	s2 =	sadd.s32 $0x30, s7  }
0xc5: {  	s11 =	sand.u32 $0x40, s11;
	s12 =	sand.u32 $0x50, s12;
	v6 =	vand.u32 $0xFFFF8000, v6;
	v3 =	vand.u32 $0x380, v3;
	v7 =	vand.u32 $0xFFFF8000, v7;
	s2 =	sor.u32 $0x80, s2  }
0xc6: {  	s13 =	sand.u32 $0x60, s13;
	s0 =	sadd.s32 s22, s0;
	s11 =	sor.u32 s11, s10;
	v2 =	vand.u32 $0x380, v2;
	v9 =	vand.u32 $0xFFFF8000, v9;
	v1 =	vand.u32 $0x380, v1;
	v10 =	vld [tilespmem:s2+$0x1000]  }
0xc7: {  	v3 =	vor.u32 v6, v3;
	v6 =	vshll.u32 v5, $0x3;
	v5 =	vand.u32 $0x7F, v5;
	s7 =	sadd.s32 $0x10, s7;
	s2 =	sor.u32 s12, s10;
	s10 =	sor.u32 s13, s10;
	v11 =	vld [tilespmem:s11+$0x0]  }
0xc8: {  	s0 =	sadd.s32 $0x20, s0;
	v2 =	vor.u32 v7, v2;
	v7 =	vshll.u32 v4, $0x3;
	v4 =	vand.u32 $0x7F, v4;
	s11 =	sadd.s32 s31, s22;
	v12 =	vld [tilespmem:s2+$0x0];
	s2 =	sor.u32 $0x80, s7  }
0xc9: {  	s0 =	sor.u32 $0x80, s0;
	v1 =	vor.u32 v9, v1;
	v14 =	vshll.u32 v0, $0x3;
	s7 =	sor.u32 $0x80, s11;
	v13 =	vld [tilespmem:s10+$0x0];
	v8 =	vadd.f32 v8, v8  }
0xca: {  	v6 =	vand.u32 $0xFFFFFC00, v6;
	v2 =	vor.u32 v5, v2;
	v0 =	vand.u32 $0x7F, v0;
	v9 =	vld [tilespmem:s2+$0x1000]  }
0xcb: {  	v0 =	vor.u32 v0, v3;
	v5 =	vld [tilespmem:s0+$0x1000];
	v8 =	vadd.f32 $-1.000000000e+00, v8;
	v10 =	vadd.f32 v10, v10  }
0xcc: {  	v7 =	vand.u32 $0xFFFFFC00, v7;
	v1 =	vor.u32 v4, v1;
	v3 =	vld [tilespmem:s7+$0x1000];
	v11 =	vadd.f32 v11, v11  }
0xcd: {  	v4 =	vadd.f32 $1.000000000e+00, v8;
	v8 =	vadd.f32 $-1.000000000e+00, v10;
	v10 =	vand.u32 $0xFFFFFC00, v14  }
0xce: {  	v12 =	vadd.f32 v12, v12;
	v13 =	vadd.f32 v13, v13;
	v0 =	vor.u32 v10, v0  }
0xcf: {  	v10 =	vadd.f32 $-1.000000000e+00, v11;
	v4 =	vmul.f32 $5.000000000e-01, v4;
	v8 =	vadd.f32 $1.000000000e+00, v8;
	[tilespmem:s24+$0xFFFFFFE0] =	vst v0  }
0xd0: {  	v2 =	vor.u32 v6, v2;
	v0 =	vadd.f32 $-1.000000000e+00, v12;
	v9 =	vadd.f32 v9, v9  }
0xd1: {  	v6 =	vadd.f32 $-1.000000000e+00, v13;
	v4 =	vmul.f32 $4.095000000e+03, v4;
	v8 =	vmul.f32 $5.000000000e-01, v8;
	[tilespmem:s24+$0xFFFFFFF0] =	vst v2  }
0xd2: {  	v1 =	vor.u32 v7, v1;
	v2 =	vadd.f32 v3, v3;
	v3 =	vadd.f32 v5, v5  }
0xd3: {  	v5 =	vadd.f32 $1.000000000e+00, v10;
	v7 =	vmul.f32 $4.095000000e+03, v8;
	v4 =	vadd.f32 $1.258291200e+07, v4;
	[tilespmem:s24+$0x0] =	vst v1  }
0xd4: {  	v0 =	vadd.f32 $1.000000000e+00, v0;
	v1 =	vadd.f32 $-1.000000000e+00, v9  }
0xd5: {  	v5 =	vmul.f32 $5.000000000e-01, v5;
	v4 =	vadd.f32 $-1.258291200e+07, v4;
	v7 =	vadd.f32 $1.258291200e+07, v7  }
0xd6: {  	v6 =	vadd.f32 $1.000000000e+00, v6;
	v0 =	vmul.f32 $5.000000000e-01, v0;
	v3 =	vadd.f32 $-1.000000000e+00, v3  }
0xd7: {  	v2 =	vadd.f32 $-1.000000000e+00, v2;
	v7 =	vadd.f32 $-1.258291200e+07, v7;
	v4 =	vtrunc.f32 v4  }
0xd8: {  	v6 =	vmul.f32 $5.000000000e-01, v6;
	v1 =	vadd.f32 $1.000000000e+00, v1;
	v4 =	vcvt.f32.s32 v4  }
0xd9: {  	v2 =	vadd.f32 $1.000000000e+00, v2;
	v3 =	vadd.f32 $1.000000000e+00, v3;
	v7 =	vtrunc.f32 v7  }
0xda: {  	v7 =	vcvt.f32.s32 v7;
	v8 =	vshll.u32 v4, $0xC;
	v4 =	vshll.u32 v4, $0x7  }
0xdb: {  	v5 =	vmul.f32 $4.095000000e+03, v5;
	v8 =	vand.u32 $0xFFFF8000, v8;
	v4 =	vand.u32 $0x380, v4  }
0xdc: {  	v9 =	vshll.u32 v7, $0x3;
	v7 =	vand.u32 $0x7F, v7;
	v4 =	vor.u32 v8, v4  }
0xdd: {  	v0 =	vmul.f32 $4.095000000e+03, v0;
	v8 =	vand.u32 $0xFFFFFC00, v9;
	v4 =	vor.u32 v7, v4  }
0xde: {  	s24 =	sadd.s32 $0x40, s24;
	v6 =	vmul.f32 $4.095000000e+03, v6;
	v1 =	vmul.f32 $5.000000000e-01, v1;
	v4 =	vor.u32 v8, v4  }
.Ltmp1:
0xdf: {  	v2 =	vmul.f32 $5.000000000e-01, v2;
	v5 =	vadd.f32 $1.258291200e+07, v5;
	v3 =	vmul.f32 $5.000000000e-01, v3;
	[tilespmem:s24+$0x10] =	vst v4;
	(pc) =	sbr.rel @p2 .LBB2_5-.Ltmp1, $4  }
0xe0: {  	v6 =	vadd.f32 $1.258291200e+07, v6;
	v1 =	vmul.f32 $4.095000000e+03, v1;
	v4 =	vadd.f32 $1.258291200e+07, v0  }
0xe1: {  	v7 =	vadd.f32 $-1.258291200e+07, v5;
	v8 =	vmul.f32 $4.095000000e+03, v3;
	v0 =	vmul.f32 $4.095000000e+03, v2  }
0xe2: {  	v5 =	vadd.f32 $1.258291200e+07, v1;
	v2 =	vadd.f32 $-1.258291200e+07, v4  }
0xe3: {  	s26 =	sadd.s32 $0x2, s26;
	p1 =	por !p1, !p1;
	v1 =	vadd.f32 $-1.258291200e+07, v6;
	v3 =	vtrunc.f32 v7;
	v4 =	vadd.f32 $1.258291200e+07, v8  }
0xe4: {  	v0 =	vadd.f32 $1.258291200e+07, v0;
	v5 =	vadd.f32 $-1.258291200e+07, v5  }
0xe5: {  	v2 =	vtrunc.f32 v2;
	v3 =	vcvt.f32.s32 v3;
	v4 =	vadd.f32 $-1.258291200e+07, v4  }
0xe6: {  	v1 =	vtrunc.f32 v1;
	v2 =	vcvt.f32.s32 v2;
	v0 =	vadd.f32 $-1.258291200e+07, v0  }
0xe7: {  	v1 =	vcvt.f32.s32 v1;
	v6 =	vshll.u32 v3, $0xC;
	v5 =	vtrunc.f32 v5  }
0xe8: {  	v3 =	vshll.u32 v3, $0x7;
	v4 =	vtrunc.f32 v4;
	v5 =	vcvt.f32.s32 v5  }
0xe9: {  	v7 =	vshll.u32 v2, $0xC;
	v2 =	vshll.u32 v2, $0x7;
	v6 =	vand.u32 $0xFFFF8000, v6  }
0xea: {  	v3 =	vand.u32 $0x380, v3;
	v0 =	vtrunc.f32 v0;
	v4 =	vcvt.f32.s32 v4  }
0xeb: {  	v8 =	vshll.u32 v1, $0xC;
	v1 =	vshll.u32 v1, $0x7;
	v7 =	vand.u32 $0xFFFF8000, v7  }
0xec: {  	v2 =	vand.u32 $0x380, v2;
	v3 =	vor.u32 v6, v3;
	v0 =	vcvt.f32.s32 v0  }
0xed: {  	v8 =	vand.u32 $0xFFFF8000, v8;
	v1 =	vand.u32 $0x380, v1;
	v58 =	vshll.u32 v5, $0x3  }
0xee: {  	v5 =	vand.u32 $0x7F, v5;
	v2 =	vor.u32 v7, v2;
	v59 =	vshll.u32 v4, $0x3  }
0xef: {  	v4 =	vand.u32 $0x7F, v4;
	v1 =	vor.u32 v8, v1;
	v6 =	vand.u32 $0xFFFFFC00, v58  }
0xf0: {  	v2 =	vor.u32 v5, v2;
	v9 =	vshll.u32 v0, $0x3;
	v0 =	vand.u32 $0x7F, v0  }
0xf1: {  	v61 =	vand.u32 $0xFFFFFC00, v59;
	v1 =	vor.u32 v4, v1;
	v62 =	vor.u32 v6, v2  }
0xf2: {  	v0 =	vor.u32 v0, v3;
	v60 =	vand.u32 $0xFFFFFC00, v9;
	[tilespmem:s24+$0xFFFFFFF0] =	vst v62;
	v63 =	vor.u32 v61, v1  }
0xf3: {  	v0 =	vor.u32 v60, v0;
	[tilespmem:s24+$0x0] =	vst v63  }
0xf4: {  	s0 =	simm.s32 @!p0 $0x6;
	[tilespmem:s24+$0xFFFFFFE0] =	vst v0  }
0xf5: {  	_ =	swait.ge @!p0 [sflag:s0], $0x800  }
0xf6: {  	[sflag:s0] =	ssyncset.done @!p0 $0x0  }
0xf7: {  	s31 =	simm.s32 $0x2800;
	s2 =	simm.s32 $0x3800;
	[sflag:s0] =	ssyncadd.s32 @!p0 $0xFFFFF800  }
0xf8: {  	[tilespmem:s2], [sflag:$0x4] =	stream.indirect.gather [hbm4b:s1+s15], $0x1, s31, s15, $0xb8;
	[tilespmem:$0x4000] =	vst v63  }
0xf9: {  	s7 =	simm.s32 $0x3880;
	s2 =	simm.s32 $0x2880  }
0xfa: {  	[tilespmem:s7], [sflag:$0x4] =	stream.indirect.gather [hbm4b:s1+s15], $0x1, s2, s15, $0xb8;
	[tilespmem:$0x4000] =	vst v63  }
0xfb: {  	s10 =	simm.s32 $0x2900;
	s11 =	simm.s32 $0x3900  }
0xfc: {  	[tilespmem:s11], [sflag:$0x4] =	stream.indirect.gather [hbm4b:s1+s15], $0x1, s10, s15, $0xb8;
	[tilespmem:$0x4000] =	vst v63  }
0xfd: {  	s12 =	simm.s32 $0x2980;
	s13 =	simm.s32 $0x3980  }
0xfe: {  	[tilespmem:s13], [sflag:$0x4] =	stream.indirect.gather [hbm4b:s1+s15], $0x1, s12, s15, $0xb8;
	[tilespmem:$0x4000] =	vst v63  }
0xff: {  	s22 =	simm.s32 $0x2A00;
	s23 =	simm.s32 $0x3A00  }
0x100: {  	[tilespmem:s23], [sflag:$0x4] =	stream.indirect.gather [hbm4b:s1+s15], $0x1, s22, s15, $0xb8;
	[tilespmem:$0x4000] =	vst v63  }
0x101: {  	s25 =	simm.s32 $0x3A80;
	s24 =	simm.s32 $0x2A80  }
0x102: {  	[tilespmem:s25], [sflag:$0x4] =	stream.indirect.gather [hbm4b:s1+s15], $0x1, s24, s15, $0xb8;
	[tilespmem:$0x4000] =	vst v63  }
0x103: {  	s26 =	simm.s32 $0x2B00;
	s29 =	simm.s32 $0x3B00  }
0x104: {  	[tilespmem:s29], [sflag:$0x4] =	stream.indirect.gather [hbm4b:s1+s15], $0x1, s26, s15, $0xb8;
	[tilespmem:$0x4000] =	vst v63  }
0x105: {  	s30 =	simm.s32 $0x2B80;
	s31 =	simm.s32 $0x3B80  }
0x106: {  	[tilespmem:s31], [sflag:$0x4] =	stream.indirect.gather [hbm4b:s1+s15], $0x1, s30, s15, $0xb8;
	[tilespmem:$0x4000] =	vst v63  }
0x107: {  	s2 =	simm.s32 $0x2C00;
	s7 =	simm.s32 $0x3C00  }
0x108: {  	[tilespmem:s7], [sflag:$0x4] =	stream.indirect.gather [hbm4b:s1+s15], $0x1, s2, s15, $0xb8;
	[tilespmem:$0x4000] =	vst v63  }
0x109: {  	s10 =	simm.s32 $0x2C80;
	s11 =	simm.s32 $0x3C80  }
0x10a: {  	[tilespmem:s11], [sflag:$0x4] =	stream.indirect.gather [hbm4b:s1+s15], $0x1, s10, s15, $0xb8;
	[tilespmem:$0x4000] =	vst v63  }
0x10b: {  	s12 =	simm.s32 $0x2D00;
	s13 =	simm.s32 $0x3D00  }
0x10c: {  	[tilespmem:s13], [sflag:$0x4] =	stream.indirect.gather [hbm4b:s1+s15], $0x1, s12, s15, $0xb8;
	[tilespmem:$0x4000] =	vst v63  }
0x10d: {  	s22 =	simm.s32 $0x2D80;
	s23 =	simm.s32 $0x3D80  }
0x10e: {  	[tilespmem:s23], [sflag:$0x4] =	stream.indirect.gather [hbm4b:s1+s15], $0x1, s22, s15, $0xb8;
	[tilespmem:$0x4000] =	vst v63  }
0x10f: {  	s24 =	simm.s32 $0x2E00;
	s25 =	simm.s32 $0x3E00  }
0x110: {  	[tilespmem:s25], [sflag:$0x4] =	stream.indirect.gather [hbm4b:s1+s15], $0x1, s24, s15, $0xb8;
	[tilespmem:$0x4000] =	vst v63  }
0x111: {  	s26 =	simm.s32 $0x2E80;
	s29 =	simm.s32 $0x3E80  }
0x112: {  	[tilespmem:s29], [sflag:$0x4] =	stream.indirect.gather [hbm4b:s1+s15], $0x1, s26, s15, $0xb8;
	[tilespmem:$0x4000] =	vst v63  }
0x113: {  	s30 =	simm.s32 $0x2F00;
	s31 =	sshll.u32 s21, $0xC;
	s21 =	sadd.s32 $0x1, s21  }
0x114: {  	[tilespmem:s16], [sflag:$0x4] =	stream.indirect.gather [hbm4b:s1+s15], $0x1, s30, s15, $0xb8;
	[tilespmem:$0x4000] =	vst v63  }
0x115: {  	p0 =	sne.s32 s21, $0x20  }
0x116: {  	[tilespmem:s19], [sflag:$0x4] =	stream.indirect.gather [hbm4b:s1+s15], $0x1, s18, s15, $0xb8;
	[tilespmem:$0x4000] =	vst v63  }
.Ltmp2:
0x117: {  	_ = 	snop;
	(pc) =	sbr.rel @p0 .LBB2_2-.Ltmp2, $4  }
0x118: {  	s0 =	sadd.s32 s5, s31;
	_ =	swait.ge [sflag:s20], $0x800  }
0x119: {  	s0 =	sshrl.u32 s0, $0x3;
	[sflag:s20] =	ssyncset.done $0x0  }
0x11a: {  	s0 =	sadd.s32 s3, s0;
	[sflag:s20] =	ssyncadd.s32 $0xFFFFF800  }
0x11b: {  	[hbm4b:s0+s4] =	stream.linear.scatter [tilespmem:s17], [sflag:$0x5], $0x800, $0x38;
	[tilespmem:$0x4000] =	vst v63  }
0x11c: {  	s0 =	simm.s32 $0x4  }
0x11d: {  	_ =	swait.ge [sflag:s0], $0x800  }
0x11e: {  	s2 =	simm.s32 $0x3800;
	[sflag:s0] =	ssyncset.done $0x0  }
0x11f: {  	s29 =	simm.s32 $0x5;
	s26 =	rddreg [dreg:$0x6];
	[sflag:s0] =	ssyncadd.s32 $0xFFFFF800  }
0x120: {  	[hbm4b:s26+s4] =	stream.linear.scatter [tilespmem:s2], [sflag:$0x6], $0x800, $0x38;
	[tilespmem:$0x4000] =	vst v63  }
0x121: {  	_ =	swait.ge [sflag:s29], $0x800  }
0x122: {  	[sflag:s29] =	ssyncset.done $0x0  }
0x123: {  	s30 =	simm.s32 $0x6;
	[sflag:s29] =	ssyncadd.s32 $0xFFFFF800  }
0x124: {  	_ =	swait.ge [sflag:s30], $0x800  }
0x125: {  	s7 =	rddreg [dreg:$0x8]  }
0x126: {  	s31 =	rddreg [dreg:$0x7];
	s7 =	sadd.s32 $0x1, s7  }
0x127: {  	p0 =	sne.s32 s7, s31  }
.Ltmp3:
0x128: {  	_ = 	snop;
	(pc) =	sbr.rel @p0 .LBB2_1-.Ltmp3, $3  }
0x129: {  	_ =	sdelay $0x1  }
0x12a: {  	[sflag:s30] =	ssyncset.done $0x0  }
0x12b: {  	[sflag:s30] =	ssyncadd.s32 $0xFFFFF800  }
0x12c: {  	_ =	sfence.sel $0x180000  }
0x12d: {  	[bflag:$0x0] =	sbarrier.arrive $0xFFFF  }
0x12e: {  	_ =	strace $0x90000047  }
0x12f: {  	s0 =	stileid.u32;
	[bflag:$0x2] =	sbarrier.arrive $0xFFFF  }
0x130: {  	p0 =	sne.s32 s0, $0x0;
	s0 =	rddreg [dreg:$0x3]  }
0x131: {  	s0 =	sadd.s32 @!p0 $0x100000, s0  }
0x132: {  	[sflag:s0] =	ssyncadd.tile.s32 @!p0 $0x1;
	_ =	shalt  }
.Lfunc_end2:
_tile_overlayer_lowered:
.L_overlay_start_2:
0x133: {  	(tag) =	ssettag $0x2  }
0x134: {  	s0 =	rddreg [dreg:$0x0];
	s2 =	stileid.u32  }
0x135: {  	s1 =	rddreg [dreg:$0x1];
	p0 =	sne.s32 s2, $0x0  }
0x136: {  	s3 =	rddreg [dreg:$0x2];
	[bflag:$0x3] =	sbarrier.arrive $0xFFFF;
	s2 =	simm.s32 @!p0 $0x1C07  }
0x137: {  	[timem:s3], [sflag:s2] =	dma.local @!p0 [hbm:s0], s1  }
0x138: {  	s0 =	simm.s32 @!p0 $0x7  }
0x139: {  	_ =	swait.ge @!p0 [sflag:s0], s1  }
0x13a: {  	s1 =	ssub.s32 @!p0 $0x0, s1;
	[sflag:s0] =	ssyncset.done @!p0 $0x0  }
0x13b: {  	[sflag:s0] =	ssyncadd.s32 @!p0 s1  }
0x13c: {  	[bflag:$0x3] =	sbarrier.arrive $0xFFFF  }
0x13d: {  	_ =	shalt  }

</sc_bundles>
